<compile_context>
chip_gen: v7x
topology: tpu7x:2x2x1
jax: 0.10.2.dev20260603
libtpu: 0.0.44.dev20260713+nightly
codegen_flags: <defaults>
</compile_context>

<pallas_src>
import jax
import jax.numpy as jnp
from jax import lax
from jax.experimental import pallas as pl
from jax.experimental.pallas import tpu as pltpu
from jax.experimental.pallas import tpu_sc as plsc

BATCH = 1024
S = 7
N = 20
CELLS = BATCH * S * S
NC = 2
NS = 16
NW = NC * NS
UNITS = S * (BATCH // 128)
Sf = 7.0


def _sq(x):
    return x * x


def _sqrt16(x):
    xi = plsc.bitcast(x, jnp.int32)
    yi = jnp.int32(0x5F3759DF) - lax.shift_right_arithmetic(xi, 1)
    y = plsc.bitcast(yi, jnp.float32)
    y = y * (1.5 - 0.5 * x * y * y)
    y = y * (1.5 - 0.5 * x * y * y)
    y = y * (1.5 - 0.5 * x * y * y)
    return jnp.where(x == 0.0, 0.0, x * y)


def _body(pred_hbm, targ_hbm, out_hbm, pad_p, pad_t, acc_v, sem0, sem1):
    wid = lax.axis_index("s") * NC + lax.axis_index("c")
    sems = (sem0, sem1)

    def unit_dma(u, buf):
        i = u // 8
        chb = (u % 8) * 128
        cp_p = pltpu.make_async_copy(
            pred_hbm.at[i, :, :, pl.ds(chb, 128)],
            pad_p.at[buf, :, pl.ds(0, S), :], sems[buf])
        cp_t = pltpu.make_async_copy(
            targ_hbm.at[i, :, :, pl.ds(chb, 128)],
            pad_t.at[buf, :, pl.ds(0, S), :], sems[buf])
        return cp_p, cp_t

    def unit_work(u, buf, acc):
        def group(q, acc):
            j = q // 8
            b16 = (q % 8) * 16

            def pch(c):
                return pad_p[buf, c, j, pl.ds(b16, 16)]

            def tch(c):
                return pad_t[buf, c, j, pl.ds(b16, 16)]

            p = [pch(c) for c in range(10)]
            t = [tch(c) for c in range(10)]
            t4 = t[4]
            m = jnp.where(t4 > 0.0, 1.0, 0.0)
            l_noobj = jnp.where(t4 == 0.0,
                                _sq(p[4] - t4) + _sq(p[9] - t[9]),
                                0.0)
            l_class = _sq(pch(10) - tch(10))
            for c in range(11, 20):
                l_class = l_class + _sq(pch(c) - tch(c))
            C7 = jnp.float32(1.0 / Sf)
            tx = t[2] * C7
            at0 = 0.5 * t[2]
            at1 = 0.5 * t[3]
            lt_t0 = tx - at0
            lt_t1 = tx - at1
            rb_t0 = tx + at0
            rb_t1 = tx + at1
            area2 = t[2] * t[3]
            px = p[2] * C7
            py = p[7] * C7
            inters = []
            denoms = []
            for b in (0, 1):
                h0 = 0.5 * p[5 * b + 2]
                h1 = 0.5 * p[5 * b + 3]
                w = jnp.maximum(jnp.minimum(px + h0, rb_t0)
                                - jnp.maximum(px - h0, lt_t0), 0.0)
                h = jnp.maximum(jnp.minimum(py + h1, rb_t1)
                                - jnp.maximum(py - h1, lt_t1), 0.0)
                inter = w * h
                area1 = p[5 * b + 2] * p[5 * b + 3]
                inters.append(inter)
                denoms.append(area1 + area2 - inter)
            sel = inters[0] * denoms[1] >= inters[1] * denoms[0]
            max_iou = jnp.where(sel, inters[0], inters[1]) \
                / jnp.where(sel, denoms[0], denoms[1])
            pr = [jnp.where(sel, p[j2], p[5 + j2]) for j2 in range(5)]
            tr = [jnp.where(sel, t[j2], t[5 + j2]) for j2 in range(4)]
            l_xy = _sq(pr[0] - tr[0]) + _sq(pr[1] - tr[1])
            l_wh = pr[2] + tr[2] - 2.0 * _sqrt16(pr[2] * tr[2]) \
                + pr[3] + tr[3] - 2.0 * _sqrt16(pr[3] * tr[3])
            l_obj = _sq(pr[4] - max_iou)
            return acc + (m * (5.0 * (l_xy + l_wh) + l_obj)
                          + l_class * m + 0.5 * l_noobj)

        return lax.fori_loop(0, 7 * 8, group, acc)

    cp0_p, cp0_t = unit_dma(wid, 0)
    cp0_p.start()
    cp0_t.start()
    has2 = wid < UNITS - NW

    @pl.when(has2)
    def _():
        cp1_p, cp1_t = unit_dma(wid + NW, 1)
        cp1_p.start()
        cp1_t.start()

    def per_unit(k, acc):
        valid = jnp.logical_or(k == 0, has2)

        @pl.when(k == 0)
        def _():
            a, b = unit_dma(wid, 0)
            a.wait()
            b.wait()

        @pl.when(jnp.logical_and(k == 1, has2))
        def _():
            a, b = unit_dma(wid + NW, 1)
            a.wait()
            b.wait()

        return lax.cond(valid,
                        lambda a: unit_work(wid + NW * k, k, a),
                        lambda a: a,
                        acc)

    acc = lax.fori_loop(0, 2, per_unit, jnp.zeros((16,), jnp.float32))
    acc_v[...] = acc
    pltpu.sync_copy(acc_v, out_hbm.at[wid])


@jax.jit
def _yolo_sc(pred_4d, targ_4d):
    pred_t = jnp.transpose(pred_4d, (1, 3, 2, 0))
    targ_t = jnp.transpose(targ_4d, (1, 3, 2, 0))
    mesh = plsc.VectorSubcoreMesh(
        core_axis_name="c", subcore_axis_name="s",
        num_cores=NC, num_subcores=NS)
    run = pl.kernel(
        _body,
        out_type=jax.ShapeDtypeStruct((NW, 16), jnp.float32),
        mesh=mesh,
        scratch_types=[
            pltpu.VMEM((2, N, 8, 128), jnp.float32),
            pltpu.VMEM((2, N, 8, 128), jnp.float32),
            pltpu.VMEM((16,), jnp.float32),
            pltpu.SemaphoreType.DMA,
            pltpu.SemaphoreType.DMA,
        ],
        compiler_params=pltpu.CompilerParams(needs_layout_passes=False),
    )
    partials = run(pred_t, targ_t)
    return jnp.sum(partials) * (1.0 / BATCH)


def kernel(pred_tensor, target_tensor):
    return _yolo_sc(pred_tensor, target_tensor)

# --- scband reference (transcript-rebuilt; emitter-appended) ---
"""Pipeline reference for scband-yolo-loss-34411277975999 (READ-ONLY COPY).

The authoritative reference and input builder live on the scoring server;
editing this copy changes nothing except your own understanding.
"""

import jax, jax.numpy as jnp
import numpy as np

BATCH = 1024
S = 7
B = 2
C = 10
N = 5 * B + C
LAMBDA_COORD = 5.0
LAMBDA_NOOBJ = 0.5


def setup_inputs(seed: int = 0) -> dict:
    key = jax.random.key(seed)
    k1, k2 = jax.random.split(key)
    pred_tensor = jax.random.uniform(k1, (BATCH, S, S, N), dtype=jnp.float32)
    target_tensor = jax.random.uniform(k2, (BATCH, S, S, N), dtype=jnp.float32)
    return {"pred_tensor": pred_tensor, "target_tensor": target_tensor}


def _yolo_loss(pred, targ):
    Sf = float(S)
    batch = pred.shape[0]
    conf_t = targ[..., 4]
    coord_mask = conf_t > 0
    noobj_mask = conf_t == 0
    # no-object confidence loss over conf slots of each of the B boxes
    conf_cols = jnp.array([4, 9])
    pc = pred[..., conf_cols]
    tc = targ[..., conf_cols]
    loss_noobj = jnp.sum(jnp.where(noobj_mask[..., None], (pc - tc) ** 2, 0.0))
    # flatten cells
    cp = pred.reshape(-1, N)
    ct = targ.reshape(-1, N)
    m = coord_mask.reshape(-1).astype(pred.dtype)
    bp = cp[:, : 5 * B].reshape(-1, B, 5)
    bt = ct[:, : 5 * B].reshape(-1, B, 5)
    # class loss on coord cells
    loss_class = jnp.sum(m[:, None] * (cp[:, 5 * B :] - ct[:, 5 * B :]) ** 2)
    # xyxy conversion, faithfully reproducing the original broadcast
    # (pred[:, 2] broadcast against pred[:, 2:4], i.e. element [b,k] uses pred[k,2])
    pw = bp[..., 2]  # [cells, B]
    wh_p = bp[..., 2:4]  # [cells, B, 2]
    lt_p = pw[:, None, :] / Sf - 0.5 * wh_p
    rb_p = pw[:, None, :] / Sf + 0.5 * wh_p
    # target: first box of the cell (bbox_target[i])
    t0 = bt[:, 0, :]  # [cells, 5]
    lt_t = t0[:, 2:3] / Sf - 0.5 * t0[:, 2:4]  # [cells, 2]
    rb_t = t0[:, 2:3] / Sf + 0.5 * t0[:, 2:4]
    # IoU between the B pred boxes and the single target box, per cell
    lt = jnp.maximum(lt_p, lt_t[:, None, :])
    rb = jnp.minimum(rb_p, rb_t[:, None, :])
    wh = jnp.maximum(rb - lt, 0.0)
    inter = wh[..., 0] * wh[..., 1]
    area1 = (rb_p[..., 0] - lt_p[..., 0]) * (rb_p[..., 1] - lt_p[..., 1])
    area2 = (rb_t[:, 0] - lt_t[:, 0]) * (rb_t[:, 1] - lt_t[:, 1])
    iou = inter / (area1 + area2[:, None] - inter)  # [cells, B]
    max_iou = jnp.max(iou, axis=1)
    r = jnp.argmax(iou, axis=1)
    pr = jnp.take_along_axis(bp, r[:, None, None], axis=1)[:, 0, :]
    tr = jnp.take_along_axis(bt, r[:, None, None], axis=1)[:, 0, :]
    loss_xy = jnp.sum(m[:, None] * (pr[:, :2] - tr[:, :2]) ** 2)
    loss_wh = jnp.sum(m[:, None] * (jnp.sqrt(pr[:, 2:4]) - jnp.sqrt(tr[:, 2:4])) ** 2)
    # bbox_target_iou is built from max_iou.data (detached) in the original
    loss_obj = jnp.sum(m * (pr[:, 4] - jax.lax.stop_gradient(max_iou)) ** 2)
    loss = LAMBDA_COORD * (loss_xy + loss_wh) + loss_obj + LAMBDA_NOOBJ * loss_noobj + loss_class
    return loss / float(batch)


def reference(pred_tensor, target_tensor):
    return _yolo_loss(pred_tensor, target_tensor)

if __name__ == "__main__":
    import jax
    _d = setup_inputs()
    print(jax.jit(kernel)(*tuple(_d.values())))

</pallas_src>

<mosaic_0001>
#map = affine_map<(d0, d1) -> (0, 0, 0, 0)>
#map1 = affine_map<(d0, d1) -> (0, 0)>
module attributes {stable_mosaic.version = 14 : i64} {
  func.func @_body(%arg0: i32, %arg1: i32, %arg2: memref<7x20x7x1024xf32, #tpu.memory_space<hbm>>, %arg3: memref<7x20x7x1024xf32, #tpu.memory_space<hbm>>, %arg4: memref<32x16xf32, #tpu.memory_space<hbm>>, %arg5: memref<2x20x8x128xf32, #tpu.memory_space<vmem>>, %arg6: memref<2x20x8x128xf32, #tpu.memory_space<vmem>>, %arg7: memref<16xf32, #tpu.memory_space<vmem>>, %arg8: memref<!tpu.dma_semaphore, #tpu.memory_space<semaphore_mem>>, %arg9: memref<!tpu.dma_semaphore, #tpu.memory_space<semaphore_mem>>) attributes {dimension_semantics = [#tpu.dimension_semantics<core_parallel>, #tpu.dimension_semantics<subcore_parallel>], iteration_bounds = array<i64: 2, 16>, scalar_prefetch = 0 : i64, scratch_operands = 5 : i64, tpu.core_type = #tpu.core_type<sc_vector_subcore>, window_params = [{transform_indices = #map}, {transform_indices = #map}, {transform_indices = #map1}]} {
    %mul3A = arith.constant 2 : i32
    %mul3A_0 = arith.muli %arg1, %mul3A : i32
    %add3A = arith.addi %mul3A_0, %arg0 : i32
    %jit3A = arith.constant 8 : i32
    %div3A = arith.divsi %add3A, %jit3A : i32
    %sign3A = arith.constant 0 : i32
    %sign3A_1 = arith.cmpi sgt, %add3A, %sign3A : i32
    %sign3A_2 = arith.extui %sign3A_1 : i1 to i32
    %sign3A_3 = arith.constant 0 : i32
    %sign3A_4 = arith.cmpi slt, %add3A, %sign3A_3 : i32
    %sign3A_5 = arith.extui %sign3A_4 : i1 to i32
    %sign3A_6 = arith.subi %sign3A_2, %sign3A_5 : i32
    %sign3A_7 = arith.constant 0 : i32
    %sign3A_8 = arith.cmpi sgt, %jit3A, %sign3A_7 : i32
    %sign3A_9 = arith.extui %sign3A_8 : i1 to i32
    %sign3A_10 = arith.constant 0 : i32
    %sign3A_11 = arith.cmpi slt, %jit3A, %sign3A_10 : i32
    %sign3A_12 = arith.extui %sign3A_11 : i1 to i32
    %sign3A_13 = arith.subi %sign3A_9, %sign3A_12 : i32
    %ne3A = arith.cmpi ne, %sign3A_6, %sign3A_13 : i32
    %rem3A = arith.remsi %add3A, %jit3A : i32
    %ne3A_14 = arith.constant 0 : i32
    %ne3A_15 = arith.cmpi ne, %rem3A, %ne3A_14 : i32
    %and3A = arith.andi %ne3A, %ne3A_15 : i1
    %sub3A = arith.constant 1 : i32
    %sub3A_16 = arith.subi %div3A, %sub3A : i32
    %select_n3A = arith.select %and3A, %sub3A_16, %div3A : i32
    %jit3A_17 = arith.constant 8 : i32
    %eq3A = arith.constant 0 : i32
    %eq3A_18 = arith.cmpi eq, %jit3A_17, %eq3A : i32
    %jit3A_19 = arith.constant 1 : i32
    %select_n3A_20 = arith.select %eq3A_18, %jit3A_19, %jit3A_17 : i32
    %rem3A_21 = arith.remsi %add3A, %select_n3A_20 : i32
    %ne3A_22 = arith.constant 0 : i32
    %ne3A_23 = arith.cmpi ne, %rem3A_21, %ne3A_22 : i32
    %lt3A = arith.constant 0 : i32
    %lt3A_24 = arith.cmpi slt, %rem3A_21, %lt3A : i32
    %lt3A_25 = arith.constant 0 : i32
    %lt3A_26 = arith.cmpi slt, %select_n3A_20, %lt3A_25 : i32
    %ne3A_27 = arith.xori %lt3A_24, %lt3A_26 : i1
    %and3A_28 = arith.andi %ne3A_27, %ne3A_23 : i1
    %add3A_29 = arith.addi %rem3A_21, %select_n3A_20 : i32
    %select_n3A_30 = arith.select %and3A_28, %add3A_29, %rem3A_21 : i32
    %mul3A_31 = arith.constant 128 : i32
    %mul3A_32 = arith.muli %select_n3A_30, %mul3A_31 : i32
    %dma_start3A = arith.constant 0 : i32
    %dma_start3A_33 = arith.constant 0 : i32
    %dma_start3A_34 = arith.constant 0 : i32
    %dma_start3A_35 = arith.constant 0 : i32
    %dma_start3A_36 = tpu.memref_slice %arg5[%dma_start3A, %dma_start3A_33, %dma_start3A_34, %dma_start3A_35] : memref<2x20x8x128xf32, #tpu.memory_space<vmem>> -> memref<1x20x7x128xf32, #tpu.memory_space<vmem>>
    %dma_start3A_37 = tpu.memref_squeeze %dma_start3A_36 : memref<1x20x7x128xf32, #tpu.memory_space<vmem>> -> memref<20x7x128xf32, #tpu.memory_space<vmem>>
    %dma_start3A_38 = arith.constant 0 : i32
    %dma_start3A_39 = arith.constant 0 : i32
    %dma_start3A_40 = tpu.memref_slice %arg2[%select_n3A, %dma_start3A_38, %dma_start3A_39, %mul3A_32] : memref<7x20x7x1024xf32, #tpu.memory_space<hbm>> -> memref<1x20x7x128xf32, #tpu.memory_space<hbm>>
    %dma_start3A_41 = tpu.memref_squeeze %dma_start3A_40 : memref<1x20x7x128xf32, #tpu.memory_space<hbm>> -> memref<20x7x128xf32, #tpu.memory_space<hbm>>
    %dma_start3A_42 = arith.constant 0 : i32
    %dma_start3A_43 = arith.constant 0 : i32
    %dma_start3A_44 = arith.constant 0 : i32
    %dma_start3A_45 = tpu.memref_slice %arg5[%dma_start3A, %dma_start3A_42, %dma_start3A_43, %dma_start3A_44] : memref<2x20x8x128xf32, #tpu.memory_space<vmem>> -> memref<1x20x7x128xf32, #tpu.memory_space<vmem>>
    %dma_start3A_46 = tpu.memref_squeeze %dma_start3A_45 : memref<1x20x7x128xf32, #tpu.memory_space<vmem>> -> memref<20x7x128xf32, #tpu.memory_space<vmem>>
    %dma_start3A_47 = arith.constant 0 : i32
    %dma_start3A_48 = arith.constant 0 : i32
    %dma_start3A_49 = tpu.memref_slice %arg2[%select_n3A, %dma_start3A_47, %dma_start3A_48, %mul3A_32] : memref<7x20x7x1024xf32, #tpu.memory_space<hbm>> -> memref<1x20x7x128xf32, #tpu.memory_space<hbm>>
    %dma_start3A_50 = tpu.memref_squeeze %dma_start3A_49 : memref<1x20x7x128xf32, #tpu.memory_space<hbm>> -> memref<20x7x128xf32, #tpu.memory_space<hbm>>
    tpu.enqueue_dma source(%dma_start3A_50 : memref<20x7x128xf32, #tpu.memory_space<hbm>>) target(%dma_start3A_46 : memref<20x7x128xf32, #tpu.memory_space<vmem>>) target_semaphore(%arg8 : memref<!tpu.dma_semaphore, #tpu.memory_space<semaphore_mem>>)
    %dma_start3A_51 = arith.constant 0 : i32
    %dma_start3A_52 = arith.constant 0 : i32
    %dma_start3A_53 = arith.constant 0 : i32
    %dma_start3A_54 = arith.constant 0 : i32
    %dma_start3A_55 = tpu.memref_slice %arg6[%dma_start3A_51, %dma_start3A_52, %dma_start3A_53, %dma_start3A_54] : memref<2x20x8x128xf32, #tpu.memory_space<vmem>> -> memref<1x20x7x128xf32, #tpu.memory_space<vmem>>
    %dma_start3A_56 = tpu.memref_squeeze %dma_start3A_55 : memref<1x20x7x128xf32, #tpu.memory_space<vmem>> -> memref<20x7x128xf32, #tpu.memory_space<vmem>>
    %dma_start3A_57 = arith.constant 0 : i32
    %dma_start3A_58 = arith.constant 0 : i32
    %dma_start3A_59 = tpu.memref_slice %arg3[%select_n3A, %dma_start3A_57, %dma_start3A_58, %mul3A_32] : memref<7x20x7x1024xf32, #tpu.memory_space<hbm>> -> memref<1x20x7x128xf32, #tpu.memory_space<hbm>>
    %dma_start3A_60 = tpu.memref_squeeze %dma_start3A_59 : memref<1x20x7x128xf32, #tpu.memory_space<hbm>> -> memref<20x7x128xf32, #tpu.memory_space<hbm>>
    %dma_start3A_61 = arith.constant 0 : i32
    %dma_start3A_62 = arith.constant 0 : i32
    %dma_start3A_63 = arith.constant 0 : i32
    %dma_start3A_64 = tpu.memref_slice %arg6[%dma_start3A_51, %dma_start3A_61, %dma_start3A_62, %dma_start3A_63] : memref<2x20x8x128xf32, #tpu.memory_space<vmem>> -> memref<1x20x7x128xf32, #tpu.memory_space<vmem>>
    %dma_start3A_65 = tpu.memref_squeeze %dma_start3A_64 : memref<1x20x7x128xf32, #tpu.memory_space<vmem>> -> memref<20x7x128xf32, #tpu.memory_space<vmem>>
    %dma_start3A_66 = arith.constant 0 : i32
    %dma_start3A_67 = arith.constant 0 : i32
    %dma_start3A_68 = tpu.memref_slice %arg3[%select_n3A, %dma_start3A_66, %dma_start3A_67, %mul3A_32] : memref<7x20x7x1024xf32, #tpu.memory_space<hbm>> -> memref<1x20x7x128xf32, #tpu.memory_space<hbm>>
    %dma_start3A_69 = tpu.memref_squeeze %dma_start3A_68 : memref<1x20x7x128xf32, #tpu.memory_space<hbm>> -> memref<20x7x128xf32, #tpu.memory_space<hbm>>
    tpu.enqueue_dma source(%dma_start3A_69 : memref<20x7x128xf32, #tpu.memory_space<hbm>>) target(%dma_start3A_65 : memref<20x7x128xf32, #tpu.memory_space<vmem>>) target_semaphore(%arg8 : memref<!tpu.dma_semaphore, #tpu.memory_space<semaphore_mem>>)
    %lt3A_70 = arith.constant 24 : i32
    %lt3A_71 = arith.cmpi slt, %add3A, %lt3A_70 : i32
    %convert_element_type3A = arith.extui %lt3A_71 : i1 to i32
    %cond3A = arith.constant 0 : i32
    %cond3A_72 = arith.cmpi ne, %convert_element_type3A, %cond3A : i32
    scf.if %cond3A_72 {
      %add3A_80 = arith.constant 32 : i32
      %add3A_81 = arith.addi %add3A, %add3A_80 : i32
      %jit3A_82 = arith.constant 8 : i32
      %div3A_83 = arith.divsi %add3A_81, %jit3A_82 : i32
      %sign3A_84 = arith.constant 0 : i32
      %sign3A_85 = arith.cmpi sgt, %add3A_81, %sign3A_84 : i32
      %sign3A_86 = arith.extui %sign3A_85 : i1 to i32
      %sign3A_87 = arith.constant 0 : i32
      %sign3A_88 = arith.cmpi slt, %add3A_81, %sign3A_87 : i32
      %sign3A_89 = arith.extui %sign3A_88 : i1 to i32
      %sign3A_90 = arith.subi %sign3A_86, %sign3A_89 : i32
      %sign3A_91 = arith.constant 0 : i32
      %sign3A_92 = arith.cmpi sgt, %jit3A_82, %sign3A_91 : i32
      %sign3A_93 = arith.extui %sign3A_92 : i1 to i32
      %sign3A_94 = arith.constant 0 : i32
      %sign3A_95 = arith.cmpi slt, %jit3A_82, %sign3A_94 : i32
      %sign3A_96 = arith.extui %sign3A_95 : i1 to i32
      %sign3A_97 = arith.subi %sign3A_93, %sign3A_96 : i32
      %ne3A_98 = arith.cmpi ne, %sign3A_90, %sign3A_97 : i32
      %rem3A_99 = arith.remsi %add3A_81, %jit3A_82 : i32
      %ne3A_100 = arith.constant 0 : i32
      %ne3A_101 = arith.cmpi ne, %rem3A_99, %ne3A_100 : i32
      %and3A_102 = arith.andi %ne3A_98, %ne3A_101 : i1
      %sub3A_103 = arith.constant 1 : i32
      %sub3A_104 = arith.subi %div3A_83, %sub3A_103 : i32
      %select_n3A_105 = arith.select %and3A_102, %sub3A_104, %div3A_83 : i32
      %jit3A_106 = arith.constant 8 : i32
      %eq3A_107 = arith.constant 0 : i32
      %eq3A_108 = arith.cmpi eq, %jit3A_106, %eq3A_107 : i32
      %jit3A_109 = arith.constant 1 : i32
      %select_n3A_110 = arith.select %eq3A_108, %jit3A_109, %jit3A_106 : i32
      %rem3A_111 = arith.remsi %add3A_81, %select_n3A_110 : i32
      %ne3A_112 = arith.constant 0 : i32
      %ne3A_113 = arith.cmpi ne, %rem3A_111, %ne3A_112 : i32
      %lt3A_114 = arith.constant 0 : i32
      %lt3A_115 = arith.cmpi slt, %rem3A_111, %lt3A_114 : i32
      %lt3A_116 = arith.constant 0 : i32
      %lt3A_117 = arith.cmpi slt, %select_n3A_110, %lt3A_116 : i32
      %ne3A_118 = arith.xori %lt3A_115, %lt3A_117 : i1
      %and3A_119 = arith.andi %ne3A_118, %ne3A_113 : i1
      %add3A_120 = arith.addi %rem3A_111, %select_n3A_110 : i32
      %select_n3A_121 = arith.select %and3A_119, %add3A_120, %rem3A_111 : i32
      %mul3A_122 = arith.constant 128 : i32
      %mul3A_123 = arith.muli %select_n3A_121, %mul3A_122 : i32
      %dma_start3A_124 = arith.constant 1 : i32
      %dma_start3A_125 = arith.constant 0 : i32
      %dma_start3A_126 = arith.constant 0 : i32
      %dma_start3A_127 = arith.constant 0 : i32
      %dma_start3A_128 = tpu.memref_slice %arg5[%dma_start3A_124, %dma_start3A_125, %dma_start3A_126, %dma_start3A_127] : memref<2x20x8x128xf32, #tpu.memory_space<vmem>> -> memref<1x20x7x128xf32, #tpu.memory_space<vmem>>
      %dma_start3A_129 = tpu.memref_squeeze %dma_start3A_128 : memref<1x20x7x128xf32, #tpu.memory_space<vmem>> -> memref<20x7x128xf32, #tpu.memory_space<vmem>>
      %dma_start3A_130 = arith.constant 0 : i32
      %dma_start3A_131 = arith.constant 0 : i32
      %dma_start3A_132 = tpu.memref_slice %arg2[%select_n3A_105, %dma_start3A_130, %dma_start3A_131, %mul3A_123] : memref<7x20x7x1024xf32, #tpu.memory_space<hbm>> -> memref<1x20x7x128xf32, #tpu.memory_space<hbm>>
      %dma_start3A_133 = tpu.memref_squeeze %dma_start3A_132 : memref<1x20x7x128xf32, #tpu.memory_space<hbm>> -> memref<20x7x128xf32, #tpu.memory_space<hbm>>
      %dma_start3A_134 = arith.constant 0 : i32
      %dma_start3A_135 = arith.constant 0 : i32
      %dma_start3A_136 = arith.constant 0 : i32
      %dma_start3A_137 = tpu.memref_slice %arg5[%dma_start3A_124, %dma_start3A_134, %dma_start3A_135, %dma_start3A_136] : memref<2x20x8x128xf32, #tpu.memory_space<vmem>> -> memref<1x20x7x128xf32, #tpu.memory_space<vmem>>
      %dma_start3A_138 = tpu.memref_squeeze %dma_start3A_137 : memref<1x20x7x128xf32, #tpu.memory_space<vmem>> -> memref<20x7x128xf32, #tpu.memory_space<vmem>>
      %dma_start3A_139 = arith.constant 0 : i32
      %dma_start3A_140 = arith.constant 0 : i32
      %dma_start3A_141 = tpu.memref_slice %arg2[%select_n3A_105, %dma_start3A_139, %dma_start3A_140, %mul3A_123] : memref<7x20x7x1024xf32, #tpu.memory_space<hbm>> -> memref<1x20x7x128xf32, #tpu.memory_space<hbm>>
      %dma_start3A_142 = tpu.memref_squeeze %dma_start3A_141 : memref<1x20x7x128xf32, #tpu.memory_space<hbm>> -> memref<20x7x128xf32, #tpu.memory_space<hbm>>
      tpu.enqueue_dma source(%dma_start3A_142 : memref<20x7x128xf32, #tpu.memory_space<hbm>>) target(%dma_start3A_138 : memref<20x7x128xf32, #tpu.memory_space<vmem>>) target_semaphore(%arg9 : memref<!tpu.dma_semaphore, #tpu.memory_space<semaphore_mem>>)
      %dma_start3A_143 = arith.constant 1 : i32
      %dma_start3A_144 = arith.constant 0 : i32
      %dma_start3A_145 = arith.constant 0 : i32
      %dma_start3A_146 = arith.constant 0 : i32
      %dma_start3A_147 = tpu.memref_slice %arg6[%dma_start3A_143, %dma_start3A_144, %dma_start3A_145, %dma_start3A_146] : memref<2x20x8x128xf32, #tpu.memory_space<vmem>> -> memref<1x20x7x128xf32, #tpu.memory_space<vmem>>
      %dma_start3A_148 = tpu.memref_squeeze %dma_start3A_147 : memref<1x20x7x128xf32, #tpu.memory_space<vmem>> -> memref<20x7x128xf32, #tpu.memory_space<vmem>>
      %dma_start3A_149 = arith.constant 0 : i32
      %dma_start3A_150 = arith.constant 0 : i32
      %dma_start3A_151 = tpu.memref_slice %arg3[%select_n3A_105, %dma_start3A_149, %dma_start3A_150, %mul3A_123] : memref<7x20x7x1024xf32, #tpu.memory_space<hbm>> -> memref<1x20x7x128xf32, #tpu.memory_space<hbm>>
      %dma_start3A_152 = tpu.memref_squeeze %dma_start3A_151 : memref<1x20x7x128xf32, #tpu.memory_space<hbm>> -> memref<20x7x128xf32, #tpu.memory_space<hbm>>
      %dma_start3A_153 = arith.constant 0 : i32
      %dma_start3A_154 = arith.constant 0 : i32
      %dma_start3A_155 = arith.constant 0 : i32
      %dma_start3A_156 = tpu.memref_slice %arg6[%dma_start3A_143, %dma_start3A_153, %dma_start3A_154, %dma_start3A_155] : memref<2x20x8x128xf32, #tpu.memory_space<vmem>> -> memref<1x20x7x128xf32, #tpu.memory_space<vmem>>
      %dma_start3A_157 = tpu.memref_squeeze %dma_start3A_156 : memref<1x20x7x128xf32, #tpu.memory_space<vmem>> -> memref<20x7x128xf32, #tpu.memory_space<vmem>>
      %dma_start3A_158 = arith.constant 0 : i32
      %dma_start3A_159 = arith.constant 0 : i32
      %dma_start3A_160 = tpu.memref_slice %arg3[%select_n3A_105, %dma_start3A_158, %dma_start3A_159, %mul3A_123] : memref<7x20x7x1024xf32, #tpu.memory_space<hbm>> -> memref<1x20x7x128xf32, #tpu.memory_space<hbm>>
      %dma_start3A_161 = tpu.memref_squeeze %dma_start3A_160 : memref<1x20x7x128xf32, #tpu.memory_space<hbm>> -> memref<20x7x128xf32, #tpu.memory_space<hbm>>
      tpu.enqueue_dma source(%dma_start3A_161 : memref<20x7x128xf32, #tpu.memory_space<hbm>>) target(%dma_start3A_157 : memref<20x7x128xf32, #tpu.memory_space<vmem>>) target_semaphore(%arg9 : memref<!tpu.dma_semaphore, #tpu.memory_space<semaphore_mem>>)
    } else {
    }
    %broadcast_in_dim3A = arith.constant 0.000000e+00 : f32
    %broadcast_in_dim3A_73 = vector.broadcast %broadcast_in_dim3A : f32 to vector<16xf32>
    %scan3A = arith.constant 0 : i32
    %scan3A_74 = arith.constant 2 : i32
    %scan3A_75 = arith.addi %scan3A, %scan3A_74 : i32
    %scan3A_76 = arith.constant 1 : i32
    %scan3A_77 = scf.for %scan3A_80 = %scan3A to %scan3A_75 step %scan3A_76 iter_args(%scan3A_81 = %broadcast_in_dim3A_73) -> (vector<16xf32>)  : i32 {
      %eq3A_82 = arith.constant 0 : i32
      %eq3A_83 = arith.cmpi eq, %scan3A_80, %eq3A_82 : i32
      %or3A = arith.ori %eq3A_83, %lt3A_71 : i1
      %eq3A_84 = arith.constant 0 : i32
      %eq3A_85 = arith.cmpi eq, %scan3A_80, %eq3A_84 : i32
      %convert_element_type3A_86 = arith.extui %eq3A_85 : i1 to i32
      %cond3A_87 = arith.constant 0 : i32
      %cond3A_88 = arith.cmpi ne, %convert_element_type3A_86, %cond3A_87 : i32
      scf.if %cond3A_88 {
        %jit3A_99 = arith.constant 8 : i32
        %div3A_100 = arith.divsi %add3A, %jit3A_99 : i32
        %sign3A_101 = arith.constant 0 : i32
        %sign3A_102 = arith.cmpi sgt, %add3A, %sign3A_101 : i32
        %sign3A_103 = arith.extui %sign3A_102 : i1 to i32
        %sign3A_104 = arith.constant 0 : i32
        %sign3A_105 = arith.cmpi slt, %add3A, %sign3A_104 : i32
        %sign3A_106 = arith.extui %sign3A_105 : i1 to i32
        %sign3A_107 = arith.subi %sign3A_103, %sign3A_106 : i32
        %sign3A_108 = arith.constant 0 : i32
        %sign3A_109 = arith.cmpi sgt, %jit3A_99, %sign3A_108 : i32
        %sign3A_110 = arith.extui %sign3A_109 : i1 to i32
        %sign3A_111 = arith.constant 0 : i32
        %sign3A_112 = arith.cmpi slt, %jit3A_99, %sign3A_111 : i32
        %sign3A_113 = arith.extui %sign3A_112 : i1 to i32
        %sign3A_114 = arith.subi %sign3A_110, %sign3A_113 : i32
        %ne3A_115 = arith.cmpi ne, %sign3A_107, %sign3A_114 : i32
        %rem3A_116 = arith.remsi %add3A, %jit3A_99 : i32
        %ne3A_117 = arith.constant 0 : i32
        %ne3A_118 = arith.cmpi ne, %rem3A_116, %ne3A_117 : i32
        %and3A_119 = arith.andi %ne3A_115, %ne3A_118 : i1
        %sub3A_120 = arith.constant 1 : i32
        %sub3A_121 = arith.subi %div3A_100, %sub3A_120 : i32
        %select_n3A_122 = arith.select %and3A_119, %sub3A_121, %div3A_100 : i32
        %jit3A_123 = arith.constant 8 : i32
        %eq3A_124 = arith.constant 0 : i32
        %eq3A_125 = arith.cmpi eq, %jit3A_123, %eq3A_124 : i32
        %jit3A_126 = arith.constant 1 : i32
        %select_n3A_127 = arith.select %eq3A_125, %jit3A_126, %jit3A_123 : i32
        %rem3A_128 = arith.remsi %add3A, %select_n3A_127 : i32
        %ne3A_129 = arith.constant 0 : i32
        %ne3A_130 = arith.cmpi ne, %rem3A_128, %ne3A_129 : i32
        %lt3A_131 = arith.constant 0 : i32
        %lt3A_132 = arith.cmpi slt, %rem3A_128, %lt3A_131 : i32
        %lt3A_133 = arith.constant 0 : i32
        %lt3A_134 = arith.cmpi slt, %select_n3A_127, %lt3A_133 : i32
        %ne3A_135 = arith.xori %lt3A_132, %lt3A_134 : i1
        %and3A_136 = arith.andi %ne3A_135, %ne3A_130 : i1
        %add3A_137 = arith.addi %rem3A_128, %select_n3A_127 : i32
        %select_n3A_138 = arith.select %and3A_136, %add3A_137, %rem3A_128 : i32
        %mul3A_139 = arith.constant 128 : i32
        %mul3A_140 = arith.muli %select_n3A_138, %mul3A_139 : i32
        %dma_wait3A = arith.constant 0 : i32
        %dma_wait3A_141 = arith.constant 0 : i32
        %dma_wait3A_142 = arith.constant 0 : i32
        %dma_wait3A_143 = arith.constant 0 : i32
        %dma_wait3A_144 = tpu.memref_slice %arg5[%dma_wait3A, %dma_wait3A_141, %dma_wait3A_142, %dma_wait3A_143] : memref<2x20x8x128xf32, #tpu.memory_space<vmem>> -> memref<1x20x7x128xf32, #tpu.memory_space<vmem>>
        %dma_wait3A_145 = tpu.memref_squeeze %dma_wait3A_144 : memref<1x20x7x128xf32, #tpu.memory_space<vmem>> -> memref<20x7x128xf32, #tpu.memory_space<vmem>>
        %dma_wait3A_146 = arith.constant 0 : i32
        %dma_wait3A_147 = arith.constant 0 : i32
        %dma_wait3A_148 = tpu.memref_slice %arg2[%select_n3A_122, %dma_wait3A_146, %dma_wait3A_147, %mul3A_140] : memref<7x20x7x1024xf32, #tpu.memory_space<hbm>> -> memref<1x20x7x128xf32, #tpu.memory_space<hbm>>
        %dma_wait3A_149 = tpu.memref_squeeze %dma_wait3A_148 : memref<1x20x7x128xf32, #tpu.memory_space<hbm>> -> memref<20x7x128xf32, #tpu.memory_space<hbm>>
        %dma_wait3A_150 = arith.constant 0 : i32
        %dma_wait3A_151 = arith.constant 0 : i32
        %dma_wait3A_152 = arith.constant 0 : i32
        %dma_wait3A_153 = tpu.memref_slice %arg5[%dma_wait3A, %dma_wait3A_150, %dma_wait3A_151, %dma_wait3A_152] : memref<2x20x8x128xf32, #tpu.memory_space<vmem>> -> memref<1x20x7x128xf32, #tpu.memory_space<vmem>>
        %dma_wait3A_154 = tpu.memref_squeeze %dma_wait3A_153 : memref<1x20x7x128xf32, #tpu.memory_space<vmem>> -> memref<20x7x128xf32, #tpu.memory_space<vmem>>
        %dma_wait3A_155 = arith.constant 0 : i32
        %dma_wait3A_156 = arith.constant 0 : i32
        %dma_wait3A_157 = tpu.memref_slice %arg2[%select_n3A_122, %dma_wait3A_155, %dma_wait3A_156, %mul3A_140] : memref<7x20x7x1024xf32, #tpu.memory_space<hbm>> -> memref<1x20x7x128xf32, #tpu.memory_space<hbm>>
        %dma_wait3A_158 = tpu.memref_squeeze %dma_wait3A_157 : memref<1x20x7x128xf32, #tpu.memory_space<hbm>> -> memref<20x7x128xf32, #tpu.memory_space<hbm>>
        tpu.wait_dma2 semaphore(%arg8 : memref<!tpu.dma_semaphore, #tpu.memory_space<semaphore_mem>>) src(%dma_wait3A_158 : memref<20x7x128xf32, #tpu.memory_space<hbm>>) dst(%dma_wait3A_154 : memref<20x7x128xf32, #tpu.memory_space<vmem>>)
        %dma_wait3A_159 = arith.constant 0 : i32
        %dma_wait3A_160 = arith.constant 0 : i32
        %dma_wait3A_161 = arith.constant 0 : i32
        %dma_wait3A_162 = arith.constant 0 : i32
        %dma_wait3A_163 = tpu.memref_slice %arg6[%dma_wait3A_159, %dma_wait3A_160, %dma_wait3A_161, %dma_wait3A_162] : memref<2x20x8x128xf32, #tpu.memory_space<vmem>> -> memref<1x20x7x128xf32, #tpu.memory_space<vmem>>
        %dma_wait3A_164 = tpu.memref_squeeze %dma_wait3A_163 : memref<1x20x7x128xf32, #tpu.memory_space<vmem>> -> memref<20x7x128xf32, #tpu.memory_space<vmem>>
        %dma_wait3A_165 = arith.constant 0 : i32
        %dma_wait3A_166 = arith.constant 0 : i32
        %dma_wait3A_167 = tpu.memref_slice %arg3[%select_n3A_122, %dma_wait3A_165, %dma_wait3A_166, %mul3A_140] : memref<7x20x7x1024xf32, #tpu.memory_space<hbm>> -> memref<1x20x7x128xf32, #tpu.memory_space<hbm>>
        %dma_wait3A_168 = tpu.memref_squeeze %dma_wait3A_167 : memref<1x20x7x128xf32, #tpu.memory_space<hbm>> -> memref<20x7x128xf32, #tpu.memory_space<hbm>>
        %dma_wait3A_169 = arith.constant 0 : i32
        %dma_wait3A_170 = arith.constant 0 : i32
        %dma_wait3A_171 = arith.constant 0 : i32
        %dma_wait3A_172 = tpu.memref_slice %arg6[%dma_wait3A_159, %dma_wait3A_169, %dma_wait3A_170, %dma_wait3A_171] : memref<2x20x8x128xf32, #tpu.memory_space<vmem>> -> memref<1x20x7x128xf32, #tpu.memory_space<vmem>>
        %dma_wait3A_173 = tpu.memref_squeeze %dma_wait3A_172 : memref<1x20x7x128xf32, #tpu.memory_space<vmem>> -> memref<20x7x128xf32, #tpu.memory_space<vmem>>
        %dma_wait3A_174 = arith.constant 0 : i32
        %dma_wait3A_175 = arith.constant 0 : i32
        %dma_wait3A_176 = tpu.memref_slice %arg3[%select_n3A_122, %dma_wait3A_174, %dma_wait3A_175, %mul3A_140] : memref<7x20x7x1024xf32, #tpu.memory_space<hbm>> -> memref<1x20x7x128xf32, #tpu.memory_space<hbm>>
        %dma_wait3A_177 = tpu.memref_squeeze %dma_wait3A_176 : memref<1x20x7x128xf32, #tpu.memory_space<hbm>> -> memref<20x7x128xf32, #tpu.memory_space<hbm>>
        tpu.wait_dma2 semaphore(%arg8 : memref<!tpu.dma_semaphore, #tpu.memory_space<semaphore_mem>>) src(%dma_wait3A_177 : memref<20x7x128xf32, #tpu.memory_space<hbm>>) dst(%dma_wait3A_173 : memref<20x7x128xf32, #tpu.memory_space<vmem>>)
      } else {
      }
      %eq3A_89 = arith.constant 1 : i32
      %eq3A_90 = arith.cmpi eq, %scan3A_80, %eq3A_89 : i32
      %and3A_91 = arith.andi %eq3A_90, %lt3A_71 : i1
      %convert_element_type3A_92 = arith.extui %and3A_91 : i1 to i32
      %cond3A_93 = arith.constant 0 : i32
      %cond3A_94 = arith.cmpi ne, %convert_element_type3A_92, %cond3A_93 : i32
      scf.if %cond3A_94 {
        %add3A_99 = arith.constant 32 : i32
        %add3A_100 = arith.addi %add3A, %add3A_99 : i32
        %jit3A_101 = arith.constant 8 : i32
        %div3A_102 = arith.divsi %add3A_100, %jit3A_101 : i32
        %sign3A_103 = arith.constant 0 : i32
        %sign3A_104 = arith.cmpi sgt, %add3A_100, %sign3A_103 : i32
        %sign3A_105 = arith.extui %sign3A_104 : i1 to i32
        %sign3A_106 = arith.constant 0 : i32
        %sign3A_107 = arith.cmpi slt, %add3A_100, %sign3A_106 : i32
        %sign3A_108 = arith.extui %sign3A_107 : i1 to i32
        %sign3A_109 = arith.subi %sign3A_105, %sign3A_108 : i32
        %sign3A_110 = arith.constant 0 : i32
        %sign3A_111 = arith.cmpi sgt, %jit3A_101, %sign3A_110 : i32
        %sign3A_112 = arith.extui %sign3A_111 : i1 to i32
        %sign3A_113 = arith.constant 0 : i32
        %sign3A_114 = arith.cmpi slt, %jit3A_101, %sign3A_113 : i32
        %sign3A_115 = arith.extui %sign3A_114 : i1 to i32
        %sign3A_116 = arith.subi %sign3A_112, %sign3A_115 : i32
        %ne3A_117 = arith.cmpi ne, %sign3A_109, %sign3A_116 : i32
        %rem3A_118 = arith.remsi %add3A_100, %jit3A_101 : i32
        %ne3A_119 = arith.constant 0 : i32
        %ne3A_120 = arith.cmpi ne, %rem3A_118, %ne3A_119 : i32
        %and3A_121 = arith.andi %ne3A_117, %ne3A_120 : i1
        %sub3A_122 = arith.constant 1 : i32
        %sub3A_123 = arith.subi %div3A_102, %sub3A_122 : i32
        %select_n3A_124 = arith.select %and3A_121, %sub3A_123, %div3A_102 : i32
        %jit3A_125 = arith.constant 8 : i32
        %eq3A_126 = arith.constant 0 : i32
        %eq3A_127 = arith.cmpi eq, %jit3A_125, %eq3A_126 : i32
        %jit3A_128 = arith.constant 1 : i32
        %select_n3A_129 = arith.select %eq3A_127, %jit3A_128, %jit3A_125 : i32
        %rem3A_130 = arith.remsi %add3A_100, %select_n3A_129 : i32
        %ne3A_131 = arith.constant 0 : i32
        %ne3A_132 = arith.cmpi ne, %rem3A_130, %ne3A_131 : i32
        %lt3A_133 = arith.constant 0 : i32
        %lt3A_134 = arith.cmpi slt, %rem3A_130, %lt3A_133 : i32
        %lt3A_135 = arith.constant 0 : i32
        %lt3A_136 = arith.cmpi slt, %select_n3A_129, %lt3A_135 : i32
        %ne3A_137 = arith.xori %lt3A_134, %lt3A_136 : i1
        %and3A_138 = arith.andi %ne3A_137, %ne3A_132 : i1
        %add3A_139 = arith.addi %rem3A_130, %select_n3A_129 : i32
        %select_n3A_140 = arith.select %and3A_138, %add3A_139, %rem3A_130 : i32
        %mul3A_141 = arith.constant 128 : i32
        %mul3A_142 = arith.muli %select_n3A_140, %mul3A_141 : i32
        %dma_wait3A = arith.constant 1 : i32
        %dma_wait3A_143 = arith.constant 0 : i32
        %dma_wait3A_144 = arith.constant 0 : i32
        %dma_wait3A_145 = arith.constant 0 : i32
        %dma_wait3A_146 = tpu.memref_slice %arg5[%dma_wait3A, %dma_wait3A_143, %dma_wait3A_144, %dma_wait3A_145] : memref<2x20x8x128xf32, #tpu.memory_space<vmem>> -> memref<1x20x7x128xf32, #tpu.memory_space<vmem>>
        %dma_wait3A_147 = tpu.memref_squeeze %dma_wait3A_146 : memref<1x20x7x128xf32, #tpu.memory_space<vmem>> -> memref<20x7x128xf32, #tpu.memory_space<vmem>>
        %dma_wait3A_148 = arith.constant 0 : i32
        %dma_wait3A_149 = arith.constant 0 : i32
        %dma_wait3A_150 = tpu.memref_slice %arg2[%select_n3A_124, %dma_wait3A_148, %dma_wait3A_149, %mul3A_142] : memref<7x20x7x1024xf32, #tpu.memory_space<hbm>> -> memref<1x20x7x128xf32, #tpu.memory_space<hbm>>
        %dma_wait3A_151 = tpu.memref_squeeze %dma_wait3A_150 : memref<1x20x7x128xf32, #tpu.memory_space<hbm>> -> memref<20x7x128xf32, #tpu.memory_space<hbm>>
        %dma_wait3A_152 = arith.constant 0 : i32
        %dma_wait3A_153 = arith.constant 0 : i32
        %dma_wait3A_154 = arith.constant 0 : i32
        %dma_wait3A_155 = tpu.memref_slice %arg5[%dma_wait3A, %dma_wait3A_152, %dma_wait3A_153, %dma_wait3A_154] : memref<2x20x8x128xf32, #tpu.memory_space<vmem>> -> memref<1x20x7x128xf32, #tpu.memory_space<vmem>>
        %dma_wait3A_156 = tpu.memref_squeeze %dma_wait3A_155 : memref<1x20x7x128xf32, #tpu.memory_space<vmem>> -> memref<20x7x128xf32, #tpu.memory_space<vmem>>
        %dma_wait3A_157 = arith.constant 0 : i32
        %dma_wait3A_158 = arith.constant 0 : i32
        %dma_wait3A_159 = tpu.memref_slice %arg2[%select_n3A_124, %dma_wait3A_157, %dma_wait3A_158, %mul3A_142] : memref<7x20x7x1024xf32, #tpu.memory_space<hbm>> -> memref<1x20x7x128xf32, #tpu.memory_space<hbm>>
        %dma_wait3A_160 = tpu.memref_squeeze %dma_wait3A_159 : memref<1x20x7x128xf32, #tpu.memory_space<hbm>> -> memref<20x7x128xf32, #tpu.memory_space<hbm>>
        tpu.wait_dma2 semaphore(%arg9 : memref<!tpu.dma_semaphore, #tpu.memory_space<semaphore_mem>>) src(%dma_wait3A_160 : memref<20x7x128xf32, #tpu.memory_space<hbm>>) dst(%dma_wait3A_156 : memref<20x7x128xf32, #tpu.memory_space<vmem>>)
        %dma_wait3A_161 = arith.constant 1 : i32
        %dma_wait3A_162 = arith.constant 0 : i32
        %dma_wait3A_163 = arith.constant 0 : i32
        %dma_wait3A_164 = arith.constant 0 : i32
        %dma_wait3A_165 = tpu.memref_slice %arg6[%dma_wait3A_161, %dma_wait3A_162, %dma_wait3A_163, %dma_wait3A_164] : memref<2x20x8x128xf32, #tpu.memory_space<vmem>> -> memref<1x20x7x128xf32, #tpu.memory_space<vmem>>
        %dma_wait3A_166 = tpu.memref_squeeze %dma_wait3A_165 : memref<1x20x7x128xf32, #tpu.memory_space<vmem>> -> memref<20x7x128xf32, #tpu.memory_space<vmem>>
        %dma_wait3A_167 = arith.constant 0 : i32
        %dma_wait3A_168 = arith.constant 0 : i32
        %dma_wait3A_169 = tpu.memref_slice %arg3[%select_n3A_124, %dma_wait3A_167, %dma_wait3A_168, %mul3A_142] : memref<7x20x7x1024xf32, #tpu.memory_space<hbm>> -> memref<1x20x7x128xf32, #tpu.memory_space<hbm>>
        %dma_wait3A_170 = tpu.memref_squeeze %dma_wait3A_169 : memref<1x20x7x128xf32, #tpu.memory_space<hbm>> -> memref<20x7x128xf32, #tpu.memory_space<hbm>>
        %dma_wait3A_171 = arith.constant 0 : i32
        %dma_wait3A_172 = arith.constant 0 : i32
        %dma_wait3A_173 = arith.constant 0 : i32
        %dma_wait3A_174 = tpu.memref_slice %arg6[%dma_wait3A_161, %dma_wait3A_171, %dma_wait3A_172, %dma_wait3A_173] : memref<2x20x8x128xf32, #tpu.memory_space<vmem>> -> memref<1x20x7x128xf32, #tpu.memory_space<vmem>>
        %dma_wait3A_175 = tpu.memref_squeeze %dma_wait3A_174 : memref<1x20x7x128xf32, #tpu.memory_space<vmem>> -> memref<20x7x128xf32, #tpu.memory_space<vmem>>
        %dma_wait3A_176 = arith.constant 0 : i32
        %dma_wait3A_177 = arith.constant 0 : i32
        %dma_wait3A_178 = tpu.memref_slice %arg3[%select_n3A_124, %dma_wait3A_176, %dma_wait3A_177, %mul3A_142] : memref<7x20x7x1024xf32, #tpu.memory_space<hbm>> -> memref<1x20x7x128xf32, #tpu.memory_space<hbm>>
        %dma_wait3A_179 = tpu.memref_squeeze %dma_wait3A_178 : memref<1x20x7x128xf32, #tpu.memory_space<hbm>> -> memref<20x7x128xf32, #tpu.memory_space<hbm>>
        tpu.wait_dma2 semaphore(%arg9 : memref<!tpu.dma_semaphore, #tpu.memory_space<semaphore_mem>>) src(%dma_wait3A_179 : memref<20x7x128xf32, #tpu.memory_space<hbm>>) dst(%dma_wait3A_175 : memref<20x7x128xf32, #tpu.memory_space<vmem>>)
      } else {
      }
      %convert_element_type3A_95 = arith.extui %or3A : i1 to i32
      %cond3A_96 = arith.constant 0 : i32
      %cond3A_97 = arith.cmpi ne, %convert_element_type3A_95, %cond3A_96 : i32
      %cond3A_98 = scf.if %cond3A_97 -> (vector<16xf32>) {
        %mul3A_99 = arith.constant 32 : i32
        %mul3A_100 = arith.muli %mul3A_99, %scan3A_80 : i32
        %add3A_101 = arith.addi %add3A, %mul3A_100 : i32
        %scan3A_102 = arith.constant 0 : i32
        %scan3A_103 = arith.constant 56 : i32
        %scan3A_104 = arith.addi %scan3A_102, %scan3A_103 : i32
        %scan3A_105 = arith.constant 1 : i32
        %scan3A_106 = scf.for %scan3A_108 = %scan3A_102 to %scan3A_104 step %scan3A_105 iter_args(%scan3A_109 = %scan3A_81) -> (vector<16xf32>)  : i32 {
          %jit3A_110 = arith.constant 8 : i32
          %div3A_111 = arith.divsi %scan3A_108, %jit3A_110 : i32
          %sign3A_112 = arith.constant 0 : i32
          %sign3A_113 = arith.cmpi sgt, %scan3A_108, %sign3A_112 : i32
          %sign3A_114 = arith.extui %sign3A_113 : i1 to i32
          %sign3A_115 = arith.constant 0 : i32
          %sign3A_116 = arith.cmpi slt, %scan3A_108, %sign3A_115 : i32
          %sign3A_117 = arith.extui %sign3A_116 : i1 to i32
          %sign3A_118 = arith.subi %sign3A_114, %sign3A_117 : i32
          %sign3A_119 = arith.constant 0 : i32
          %sign3A_120 = arith.cmpi sgt, %jit3A_110, %sign3A_119 : i32
          %sign3A_121 = arith.extui %sign3A_120 : i1 to i32
          %sign3A_122 = arith.constant 0 : i32
          %sign3A_123 = arith.cmpi slt, %jit3A_110, %sign3A_122 : i32
          %sign3A_124 = arith.extui %sign3A_123 : i1 to i32
          %sign3A_125 = arith.subi %sign3A_121, %sign3A_124 : i32
          %ne3A_126 = arith.cmpi ne, %sign3A_118, %sign3A_125 : i32
          %rem3A_127 = arith.remsi %scan3A_108, %jit3A_110 : i32
          %ne3A_128 = arith.constant 0 : i32
          %ne3A_129 = arith.cmpi ne, %rem3A_127, %ne3A_128 : i32
          %and3A_130 = arith.andi %ne3A_126, %ne3A_129 : i1
          %sub3A_131 = arith.constant 1 : i32
          %sub3A_132 = arith.subi %div3A_111, %sub3A_131 : i32
          %select_n3A_133 = arith.select %and3A_130, %sub3A_132, %div3A_111 : i32
          %jit3A_134 = arith.constant 8 : i32
          %eq3A_135 = arith.constant 0 : i32
          %eq3A_136 = arith.cmpi eq, %jit3A_134, %eq3A_135 : i32
          %jit3A_137 = arith.constant 1 : i32
          %select_n3A_138 = arith.select %eq3A_136, %jit3A_137, %jit3A_134 : i32
          %rem3A_139 = arith.remsi %scan3A_108, %select_n3A_138 : i32
          %ne3A_140 = arith.constant 0 : i32
          %ne3A_141 = arith.cmpi ne, %rem3A_139, %ne3A_140 : i32
          %lt3A_142 = arith.constant 0 : i32
          %lt3A_143 = arith.cmpi slt, %rem3A_139, %lt3A_142 : i32
          %lt3A_144 = arith.constant 0 : i32
          %lt3A_145 = arith.cmpi slt, %select_n3A_138, %lt3A_144 : i32
          %ne3A_146 = arith.xori %lt3A_143, %lt3A_145 : i1
          %and3A_147 = arith.andi %ne3A_146, %ne3A_141 : i1
          %add3A_148 = arith.addi %rem3A_139, %select_n3A_138 : i32
          %select_n3A_149 = arith.select %and3A_147, %add3A_148, %rem3A_139 : i32
          %mul3A_150 = arith.constant 16 : i32
          %mul3A_151 = arith.muli %select_n3A_149, %mul3A_150 : i32
          %get3A = arith.constant 0 : i32
          %get3A_152 = arith.index_cast %scan3A_80 : i32 to index
          %get3A_153 = arith.index_cast %get3A : i32 to index
          %get3A_154 = arith.index_cast %select_n3A_133 : i32 to index
          %get3A_155 = arith.index_cast %mul3A_151 : i32 to index
          %get3A_156 = tpu.vector_load %arg5[%get3A_152, %get3A_153, %get3A_154, %get3A_155] {strides = array<i32>} : memref<2x20x8x128xf32, #tpu.memory_space<vmem>>, vector<16xf32>,
          %get3A_157 = arith.constant 1 : i32
          %get3A_158 = arith.index_cast %scan3A_80 : i32 to index
          %get3A_159 = arith.index_cast %get3A_157 : i32 to index
          %get3A_160 = arith.index_cast %select_n3A_133 : i32 to index
          %get3A_161 = arith.index_cast %mul3A_151 : i32 to index
          %get3A_162 = tpu.vector_load %arg5[%get3A_158, %get3A_159, %get3A_160, %get3A_161] {strides = array<i32>} : memref<2x20x8x128xf32, #tpu.memory_space<vmem>>, vector<16xf32>,
          %get3A_163 = arith.constant 2 : i32
          %get3A_164 = arith.index_cast %scan3A_80 : i32 to index
          %get3A_165 = arith.index_cast %get3A_163 : i32 to index
          %get3A_166 = arith.index_cast %select_n3A_133 : i32 to index
          %get3A_167 = arith.index_cast %mul3A_151 : i32 to index
          %get3A_168 = tpu.vector_load %arg5[%get3A_164, %get3A_165, %get3A_166, %get3A_167] {strides = array<i32>} : memref<2x20x8x128xf32, #tpu.memory_space<vmem>>, vector<16xf32>,
          %get3A_169 = arith.constant 3 : i32
          %get3A_170 = arith.index_cast %scan3A_80 : i32 to index
          %get3A_171 = arith.index_cast %get3A_169 : i32 to index
          %get3A_172 = arith.index_cast %select_n3A_133 : i32 to index
          %get3A_173 = arith.index_cast %mul3A_151 : i32 to index
          %get3A_174 = tpu.vector_load %arg5[%get3A_170, %get3A_171, %get3A_172, %get3A_173] {strides = array<i32>} : memref<2x20x8x128xf32, #tpu.memory_space<vmem>>, vector<16xf32>,
          %get3A_175 = arith.constant 4 : i32
          %get3A_176 = arith.index_cast %scan3A_80 : i32 to index
          %get3A_177 = arith.index_cast %get3A_175 : i32 to index
          %get3A_178 = arith.index_cast %select_n3A_133 : i32 to index
          %get3A_179 = arith.index_cast %mul3A_151 : i32 to index
          %get3A_180 = tpu.vector_load %arg5[%get3A_176, %get3A_177, %get3A_178, %get3A_179] {strides = array<i32>} : memref<2x20x8x128xf32, #tpu.memory_space<vmem>>, vector<16xf32>,
          %get3A_181 = arith.constant 5 : i32
          %get3A_182 = arith.index_cast %scan3A_80 : i32 to index
          %get3A_183 = arith.index_cast %get3A_181 : i32 to index
          %get3A_184 = arith.index_cast %select_n3A_133 : i32 to index
          %get3A_185 = arith.index_cast %mul3A_151 : i32 to index
          %get3A_186 = tpu.vector_load %arg5[%get3A_182, %get3A_183, %get3A_184, %get3A_185] {strides = array<i32>} : memref<2x20x8x128xf32, #tpu.memory_space<vmem>>, vector<16xf32>,
          %get3A_187 = arith.constant 6 : i32
          %get3A_188 = arith.index_cast %scan3A_80 : i32 to index
          %get3A_189 = arith.index_cast %get3A_187 : i32 to index
          %get3A_190 = arith.index_cast %select_n3A_133 : i32 to index
          %get3A_191 = arith.index_cast %mul3A_151 : i32 to index
          %get3A_192 = tpu.vector_load %arg5[%get3A_188, %get3A_189, %get3A_190, %get3A_191] {strides = array<i32>} : memref<2x20x8x128xf32, #tpu.memory_space<vmem>>, vector<16xf32>,
          %get3A_193 = arith.constant 7 : i32
          %get3A_194 = arith.index_cast %scan3A_80 : i32 to index
          %get3A_195 = arith.index_cast %get3A_193 : i32 to index
          %get3A_196 = arith.index_cast %select_n3A_133 : i32 to index
          %get3A_197 = arith.index_cast %mul3A_151 : i32 to index
          %get3A_198 = tpu.vector_load %arg5[%get3A_194, %get3A_195, %get3A_196, %get3A_197] {strides = array<i32>} : memref<2x20x8x128xf32, #tpu.memory_space<vmem>>, vector<16xf32>,
          %get3A_199 = arith.constant 8 : i32
          %get3A_200 = arith.index_cast %scan3A_80 : i32 to index
          %get3A_201 = arith.index_cast %get3A_199 : i32 to index
          %get3A_202 = arith.index_cast %select_n3A_133 : i32 to index
          %get3A_203 = arith.index_cast %mul3A_151 : i32 to index
          %get3A_204 = tpu.vector_load %arg5[%get3A_200, %get3A_201, %get3A_202, %get3A_203] {strides = array<i32>} : memref<2x20x8x128xf32, #tpu.memory_space<vmem>>, vector<16xf32>,
          %get3A_205 = arith.constant 9 : i32
          %get3A_206 = arith.index_cast %scan3A_80 : i32 to index
          %get3A_207 = arith.index_cast %get3A_205 : i32 to index
          %get3A_208 = arith.index_cast %select_n3A_133 : i32 to index
          %get3A_209 = arith.index_cast %mul3A_151 : i32 to index
          %get3A_210 = tpu.vector_load %arg5[%get3A_206, %get3A_207, %get3A_208, %get3A_209] {strides = array<i32>} : memref<2x20x8x128xf32, #tpu.memory_space<vmem>>, vector<16xf32>,
          %get3A_211 = arith.constant 0 : i32
          %get3A_212 = arith.index_cast %scan3A_80 : i32 to index
          %get3A_213 = arith.index_cast %get3A_211 : i32 to index
          %get3A_214 = arith.index_cast %select_n3A_133 : i32 to index
          %get3A_215 = arith.index_cast %mul3A_151 : i32 to index
          %get3A_216 = tpu.vector_load %arg6[%get3A_212, %get3A_213, %get3A_214, %get3A_215] {strides = array<i32>} : memref<2x20x8x128xf32, #tpu.memory_space<vmem>>, vector<16xf32>,
          %get3A_217 = arith.constant 1 : i32
          %get3A_218 = arith.index_cast %scan3A_80 : i32 to index
          %get3A_219 = arith.index_cast %get3A_217 : i32 to index
          %get3A_220 = arith.index_cast %select_n3A_133 : i32 to index
          %get3A_221 = arith.index_cast %mul3A_151 : i32 to index
          %get3A_222 = tpu.vector_load %arg6[%get3A_218, %get3A_219, %get3A_220, %get3A_221] {strides = array<i32>} : memref<2x20x8x128xf32, #tpu.memory_space<vmem>>, vector<16xf32>,
          %get3A_223 = arith.constant 2 : i32
          %get3A_224 = arith.index_cast %scan3A_80 : i32 to index
          %get3A_225 = arith.index_cast %get3A_223 : i32 to index
          %get3A_226 = arith.index_cast %select_n3A_133 : i32 to index
          %get3A_227 = arith.index_cast %mul3A_151 : i32 to index
          %get3A_228 = tpu.vector_load %arg6[%get3A_224, %get3A_225, %get3A_226, %get3A_227] {strides = array<i32>} : memref<2x20x8x128xf32, #tpu.memory_space<vmem>>, vector<16xf32>,
          %get3A_229 = arith.constant 3 : i32
          %get3A_230 = arith.index_cast %scan3A_80 : i32 to index
          %get3A_231 = arith.index_cast %get3A_229 : i32 to index
          %get3A_232 = arith.index_cast %select_n3A_133 : i32 to index
          %get3A_233 = arith.index_cast %mul3A_151 : i32 to index
          %get3A_234 = tpu.vector_load %arg6[%get3A_230, %get3A_231, %get3A_232, %get3A_233] {strides = array<i32>} : memref<2x20x8x128xf32, #tpu.memory_space<vmem>>, vector<16xf32>,
          %get3A_235 = arith.constant 4 : i32
          %get3A_236 = arith.index_cast %scan3A_80 : i32 to index
          %get3A_237 = arith.index_cast %get3A_235 : i32 to index
          %get3A_238 = arith.index_cast %select_n3A_133 : i32 to index
          %get3A_239 = arith.index_cast %mul3A_151 : i32 to index
          %get3A_240 = tpu.vector_load %arg6[%get3A_236, %get3A_237, %get3A_238, %get3A_239] {strides = array<i32>} : memref<2x20x8x128xf32, #tpu.memory_space<vmem>>, vector<16xf32>,
          %get3A_241 = arith.constant 5 : i32
          %get3A_242 = arith.index_cast %scan3A_80 : i32 to index
          %get3A_243 = arith.index_cast %get3A_241 : i32 to index
          %get3A_244 = arith.index_cast %select_n3A_133 : i32 to index
          %get3A_245 = arith.index_cast %mul3A_151 : i32 to index
          %get3A_246 = tpu.vector_load %arg6[%get3A_242, %get3A_243, %get3A_244, %get3A_245] {strides = array<i32>} : memref<2x20x8x128xf32, #tpu.memory_space<vmem>>, vector<16xf32>,
          %get3A_247 = arith.constant 6 : i32
          %get3A_248 = arith.index_cast %scan3A_80 : i32 to index
          %get3A_249 = arith.index_cast %get3A_247 : i32 to index
          %get3A_250 = arith.index_cast %select_n3A_133 : i32 to index
          %get3A_251 = arith.index_cast %mul3A_151 : i32 to index
          %get3A_252 = tpu.vector_load %arg6[%get3A_248, %get3A_249, %get3A_250, %get3A_251] {strides = array<i32>} : memref<2x20x8x128xf32, #tpu.memory_space<vmem>>, vector<16xf32>,
          %get3A_253 = arith.constant 7 : i32
          %get3A_254 = arith.index_cast %scan3A_80 : i32 to index
          %get3A_255 = arith.index_cast %get3A_253 : i32 to index
          %get3A_256 = arith.index_cast %select_n3A_133 : i32 to index
          %get3A_257 = arith.index_cast %mul3A_151 : i32 to index
          %get3A_258 = tpu.vector_load %arg6[%get3A_254, %get3A_255, %get3A_256, %get3A_257] {strides = array<i32>} : memref<2x20x8x128xf32, #tpu.memory_space<vmem>>, vector<16xf32>,
          %get3A_259 = arith.constant 8 : i32
          %get3A_260 = arith.index_cast %scan3A_80 : i32 to index
          %get3A_261 = arith.index_cast %get3A_259 : i32 to index
          %get3A_262 = arith.index_cast %select_n3A_133 : i32 to index
          %get3A_263 = arith.index_cast %mul3A_151 : i32 to index
          %get3A_264 = tpu.vector_load %arg6[%get3A_260, %get3A_261, %get3A_262, %get3A_263] {strides = array<i32>} : memref<2x20x8x128xf32, #tpu.memory_space<vmem>>, vector<16xf32>,
          %get3A_265 = arith.constant 9 : i32
          %get3A_266 = arith.index_cast %scan3A_80 : i32 to index
          %get3A_267 = arith.index_cast %get3A_265 : i32 to index
          %get3A_268 = arith.index_cast %select_n3A_133 : i32 to index
          %get3A_269 = arith.index_cast %mul3A_151 : i32 to index
          %get3A_270 = tpu.vector_load %arg6[%get3A_266, %get3A_267, %get3A_268, %get3A_269] {strides = array<i32>} : memref<2x20x8x128xf32, #tpu.memory_space<vmem>>, vector<16xf32>,
          %gt3A = arith.constant 0.000000e+00 : f32
          %gt3A_271 = vector.broadcast %gt3A : f32 to vector<16xf32>
          %gt3A_272 = arith.cmpf ogt, %get3A_240, %gt3A_271 : vector<16xf32>
          %jit3A_273 = arith.constant 1.000000e+00 : f32
          %jit3A_274 = arith.constant 0.000000e+00 : f32
          %broadcast_in_dim3A_275 = vector.broadcast %jit3A_273 : f32 to vector<16xf32>
          %broadcast_in_dim3A_276 = vector.broadcast %jit3A_274 : f32 to vector<16xf32>
          %select_n3A_277 = arith.select %gt3A_272, %broadcast_in_dim3A_275, %broadcast_in_dim3A_276 : vector<16xi1>, vector<16xf32>
          %eq3A_278 = arith.constant 0.000000e+00 : f32
          %eq3A_279 = vector.broadcast %eq3A_278 : f32 to vector<16xf32>
          %eq3A_280 = arith.cmpf oeq, %get3A_240, %eq3A_279 : vector<16xf32>
          %sub3A_281 = arith.subf %get3A_180, %get3A_240 : vector<16xf32>
          %mul3A_282 = arith.mulf %sub3A_281, %sub3A_281 : vector<16xf32>
          %sub3A_283 = arith.subf %get3A_210, %get3A_270 : vector<16xf32>
          %mul3A_284 = arith.mulf %sub3A_283, %sub3A_283 : vector<16xf32>
          %add3A_285 = arith.addf %mul3A_282, %mul3A_284 : vector<16xf32>
          %jit3A_286 = arith.constant 0.000000e+00 : f32
          %broadcast_in_dim3A_287 = vector.broadcast %jit3A_286 : f32 to vector<16xf32>
          %select_n3A_288 = arith.select %eq3A_280, %add3A_285, %broadcast_in_dim3A_287 : vector<16xi1>, vector<16xf32>
          %get3A_289 = arith.constant 10 : i32
          %get3A_290 = arith.index_cast %scan3A_80 : i32 to index
          %get3A_291 = arith.index_cast %get3A_289 : i32 to index
          %get3A_292 = arith.index_cast %select_n3A_133 : i32 to index
          %get3A_293 = arith.index_cast %mul3A_151 : i32 to index
          %get3A_294 = tpu.vector_load %arg5[%get3A_290, %get3A_291, %get3A_292, %get3A_293] {strides = array<i32>} : memref<2x20x8x128xf32, #tpu.memory_space<vmem>>, vector<16xf32>,
          %get3A_295 = arith.constant 10 : i32
          %get3A_296 = arith.index_cast %scan3A_80 : i32 to index
          %get3A_297 = arith.index_cast %get3A_295 : i32 to index
          %get3A_298 = arith.index_cast %select_n3A_133 : i32 to index
          %get3A_299 = arith.index_cast %mul3A_151 : i32 to index
          %get3A_300 = tpu.vector_load %arg6[%get3A_296, %get3A_297, %get3A_298, %get3A_299] {strides = array<i32>} : memref<2x20x8x128xf32, #tpu.memory_space<vmem>>, vector<16xf32>,
          %sub3A_301 = arith.subf %get3A_294, %get3A_300 : vector<16xf32>
          %mul3A_302 = arith.mulf %sub3A_301, %sub3A_301 : vector<16xf32>
          %get3A_303 = arith.constant 11 : i32
          %get3A_304 = arith.index_cast %scan3A_80 : i32 to index
          %get3A_305 = arith.index_cast %get3A_303 : i32 to index
          %get3A_306 = arith.index_cast %select_n3A_133 : i32 to index
          %get3A_307 = arith.index_cast %mul3A_151 : i32 to index
          %get3A_308 = tpu.vector_load %arg5[%get3A_304, %get3A_305, %get3A_306, %get3A_307] {strides = array<i32>} : memref<2x20x8x128xf32, #tpu.memory_space<vmem>>, vector<16xf32>,
          %get3A_309 = arith.constant 11 : i32
          %get3A_310 = arith.index_cast %scan3A_80 : i32 to index
          %get3A_311 = arith.index_cast %get3A_309 : i32 to index
          %get3A_312 = arith.index_cast %select_n3A_133 : i32 to index
          %get3A_313 = arith.index_cast %mul3A_151 : i32 to index
          %get3A_314 = tpu.vector_load %arg6[%get3A_310, %get3A_311, %get3A_312, %get3A_313] {strides = array<i32>} : memref<2x20x8x128xf32, #tpu.memory_space<vmem>>, vector<16xf32>,
          %sub3A_315 = arith.subf %get3A_308, %get3A_314 : vector<16xf32>
          %mul3A_316 = arith.mulf %sub3A_315, %sub3A_315 : vector<16xf32>
          %add3A_317 = arith.addf %mul3A_302, %mul3A_316 : vector<16xf32>
          %get3A_318 = arith.constant 12 : i32
          %get3A_319 = arith.index_cast %scan3A_80 : i32 to index
          %get3A_320 = arith.index_cast %get3A_318 : i32 to index
          %get3A_321 = arith.index_cast %select_n3A_133 : i32 to index
          %get3A_322 = arith.index_cast %mul3A_151 : i32 to index
          %get3A_323 = tpu.vector_load %arg5[%get3A_319, %get3A_320, %get3A_321, %get3A_322] {strides = array<i32>} : memref<2x20x8x128xf32, #tpu.memory_space<vmem>>, vector<16xf32>,
          %get3A_324 = arith.constant 12 : i32
          %get3A_325 = arith.index_cast %scan3A_80 : i32 to index
          %get3A_326 = arith.index_cast %get3A_324 : i32 to index
          %get3A_327 = arith.index_cast %select_n3A_133 : i32 to index
          %get3A_328 = arith.index_cast %mul3A_151 : i32 to index
          %get3A_329 = tpu.vector_load %arg6[%get3A_325, %get3A_326, %get3A_327, %get3A_328] {strides = array<i32>} : memref<2x20x8x128xf32, #tpu.memory_space<vmem>>, vector<16xf32>,
          %sub3A_330 = arith.subf %get3A_323, %get3A_329 : vector<16xf32>
          %mul3A_331 = arith.mulf %sub3A_330, %sub3A_330 : vector<16xf32>
          %add3A_332 = arith.addf %add3A_317, %mul3A_331 : vector<16xf32>
          %get3A_333 = arith.constant 13 : i32
          %get3A_334 = arith.index_cast %scan3A_80 : i32 to index
          %get3A_335 = arith.index_cast %get3A_333 : i32 to index
          %get3A_336 = arith.index_cast %select_n3A_133 : i32 to index
          %get3A_337 = arith.index_cast %mul3A_151 : i32 to index
          %get3A_338 = tpu.vector_load %arg5[%get3A_334, %get3A_335, %get3A_336, %get3A_337] {strides = array<i32>} : memref<2x20x8x128xf32, #tpu.memory_space<vmem>>, vector<16xf32>,
          %get3A_339 = arith.constant 13 : i32
          %get3A_340 = arith.index_cast %scan3A_80 : i32 to index
          %get3A_341 = arith.index_cast %get3A_339 : i32 to index
          %get3A_342 = arith.index_cast %select_n3A_133 : i32 to index
          %get3A_343 = arith.index_cast %mul3A_151 : i32 to index
          %get3A_344 = tpu.vector_load %arg6[%get3A_340, %get3A_341, %get3A_342, %get3A_343] {strides = array<i32>} : memref<2x20x8x128xf32, #tpu.memory_space<vmem>>, vector<16xf32>,
          %sub3A_345 = arith.subf %get3A_338, %get3A_344 : vector<16xf32>
          %mul3A_346 = arith.mulf %sub3A_345, %sub3A_345 : vector<16xf32>
          %add3A_347 = arith.addf %add3A_332, %mul3A_346 : vector<16xf32>
          %get3A_348 = arith.constant 14 : i32
          %get3A_349 = arith.index_cast %scan3A_80 : i32 to index
          %get3A_350 = arith.index_cast %get3A_348 : i32 to index
          %get3A_351 = arith.index_cast %select_n3A_133 : i32 to index
          %get3A_352 = arith.index_cast %mul3A_151 : i32 to index
          %get3A_353 = tpu.vector_load %arg5[%get3A_349, %get3A_350, %get3A_351, %get3A_352] {strides = array<i32>} : memref<2x20x8x128xf32, #tpu.memory_space<vmem>>, vector<16xf32>,
          %get3A_354 = arith.constant 14 : i32
          %get3A_355 = arith.index_cast %scan3A_80 : i32 to index
          %get3A_356 = arith.index_cast %get3A_354 : i32 to index
          %get3A_357 = arith.index_cast %select_n3A_133 : i32 to index
          %get3A_358 = arith.index_cast %mul3A_151 : i32 to index
          %get3A_359 = tpu.vector_load %arg6[%get3A_355, %get3A_356, %get3A_357, %get3A_358] {strides = array<i32>} : memref<2x20x8x128xf32, #tpu.memory_space<vmem>>, vector<16xf32>,
          %sub3A_360 = arith.subf %get3A_353, %get3A_359 : vector<16xf32>
          %mul3A_361 = arith.mulf %sub3A_360, %sub3A_360 : vector<16xf32>
          %add3A_362 = arith.addf %add3A_347, %mul3A_361 : vector<16xf32>
          %get3A_363 = arith.constant 15 : i32
          %get3A_364 = arith.index_cast %scan3A_80 : i32 to index
          %get3A_365 = arith.index_cast %get3A_363 : i32 to index
          %get3A_366 = arith.index_cast %select_n3A_133 : i32 to index
          %get3A_367 = arith.index_cast %mul3A_151 : i32 to index
          %get3A_368 = tpu.vector_load %arg5[%get3A_364, %get3A_365, %get3A_366, %get3A_367] {strides = array<i32>} : memref<2x20x8x128xf32, #tpu.memory_space<vmem>>, vector<16xf32>,
          %get3A_369 = arith.constant 15 : i32
          %get3A_370 = arith.index_cast %scan3A_80 : i32 to index
          %get3A_371 = arith.index_cast %get3A_369 : i32 to index
          %get3A_372 = arith.index_cast %select_n3A_133 : i32 to index
          %get3A_373 = arith.index_cast %mul3A_151 : i32 to index
          %get3A_374 = tpu.vector_load %arg6[%get3A_370, %get3A_371, %get3A_372, %get3A_373] {strides = array<i32>} : memref<2x20x8x128xf32, #tpu.memory_space<vmem>>, vector<16xf32>,
          %sub3A_375 = arith.subf %get3A_368, %get3A_374 : vector<16xf32>
          %mul3A_376 = arith.mulf %sub3A_375, %sub3A_375 : vector<16xf32>
          %add3A_377 = arith.addf %add3A_362, %mul3A_376 : vector<16xf32>
          %get3A_378 = arith.constant 16 : i32
          %get3A_379 = arith.index_cast %scan3A_80 : i32 to index
          %get3A_380 = arith.index_cast %get3A_378 : i32 to index
          %get3A_381 = arith.index_cast %select_n3A_133 : i32 to index
          %get3A_382 = arith.index_cast %mul3A_151 : i32 to index
          %get3A_383 = tpu.vector_load %arg5[%get3A_379, %get3A_380, %get3A_381, %get3A_382] {strides = array<i32>} : memref<2x20x8x128xf32, #tpu.memory_space<vmem>>, vector<16xf32>,
          %get3A_384 = arith.constant 16 : i32
          %get3A_385 = arith.index_cast %scan3A_80 : i32 to index
          %get3A_386 = arith.index_cast %get3A_384 : i32 to index
          %get3A_387 = arith.index_cast %select_n3A_133 : i32 to index
          %get3A_388 = arith.index_cast %mul3A_151 : i32 to index
          %get3A_389 = tpu.vector_load %arg6[%get3A_385, %get3A_386, %get3A_387, %get3A_388] {strides = array<i32>} : memref<2x20x8x128xf32, #tpu.memory_space<vmem>>, vector<16xf32>,
          %sub3A_390 = arith.subf %get3A_383, %get3A_389 : vector<16xf32>
          %mul3A_391 = arith.mulf %sub3A_390, %sub3A_390 : vector<16xf32>
          %add3A_392 = arith.addf %add3A_377, %mul3A_391 : vector<16xf32>
          %get3A_393 = arith.constant 17 : i32
          %get3A_394 = arith.index_cast %scan3A_80 : i32 to index
          %get3A_395 = arith.index_cast %get3A_393 : i32 to index
          %get3A_396 = arith.index_cast %select_n3A_133 : i32 to index
          %get3A_397 = arith.index_cast %mul3A_151 : i32 to index
          %get3A_398 = tpu.vector_load %arg5[%get3A_394, %get3A_395, %get3A_396, %get3A_397] {strides = array<i32>} : memref<2x20x8x128xf32, #tpu.memory_space<vmem>>, vector<16xf32>,
          %get3A_399 = arith.constant 17 : i32
          %get3A_400 = arith.index_cast %scan3A_80 : i32 to index
          %get3A_401 = arith.index_cast %get3A_399 : i32 to index
          %get3A_402 = arith.index_cast %select_n3A_133 : i32 to index
          %get3A_403 = arith.index_cast %mul3A_151 : i32 to index
          %get3A_404 = tpu.vector_load %arg6[%get3A_400, %get3A_401, %get3A_402, %get3A_403] {strides = array<i32>} : memref<2x20x8x128xf32, #tpu.memory_space<vmem>>, vector<16xf32>,
          %sub3A_405 = arith.subf %get3A_398, %get3A_404 : vector<16xf32>
          %mul3A_406 = arith.mulf %sub3A_405, %sub3A_405 : vector<16xf32>
          %add3A_407 = arith.addf %add3A_392, %mul3A_406 : vector<16xf32>
          %get3A_408 = arith.constant 18 : i32
          %get3A_409 = arith.index_cast %scan3A_80 : i32 to index
          %get3A_410 = arith.index_cast %get3A_408 : i32 to index
          %get3A_411 = arith.index_cast %select_n3A_133 : i32 to index
          %get3A_412 = arith.index_cast %mul3A_151 : i32 to index
          %get3A_413 = tpu.vector_load %arg5[%get3A_409, %get3A_410, %get3A_411, %get3A_412] {strides = array<i32>} : memref<2x20x8x128xf32, #tpu.memory_space<vmem>>, vector<16xf32>,
          %get3A_414 = arith.constant 18 : i32
          %get3A_415 = arith.index_cast %scan3A_80 : i32 to index
          %get3A_416 = arith.index_cast %get3A_414 : i32 to index
          %get3A_417 = arith.index_cast %select_n3A_133 : i32 to index
          %get3A_418 = arith.index_cast %mul3A_151 : i32 to index
          %get3A_419 = tpu.vector_load %arg6[%get3A_415, %get3A_416, %get3A_417, %get3A_418] {strides = array<i32>} : memref<2x20x8x128xf32, #tpu.memory_space<vmem>>, vector<16xf32>,
          %sub3A_420 = arith.subf %get3A_413, %get3A_419 : vector<16xf32>
          %mul3A_421 = arith.mulf %sub3A_420, %sub3A_420 : vector<16xf32>
          %add3A_422 = arith.addf %add3A_407, %mul3A_421 : vector<16xf32>
          %get3A_423 = arith.constant 19 : i32
          %get3A_424 = arith.index_cast %scan3A_80 : i32 to index
          %get3A_425 = arith.index_cast %get3A_423 : i32 to index
          %get3A_426 = arith.index_cast %select_n3A_133 : i32 to index
          %get3A_427 = arith.index_cast %mul3A_151 : i32 to index
          %get3A_428 = tpu.vector_load %arg5[%get3A_424, %get3A_425, %get3A_426, %get3A_427] {strides = array<i32>} : memref<2x20x8x128xf32, #tpu.memory_space<vmem>>, vector<16xf32>,
          %get3A_429 = arith.constant 19 : i32
          %get3A_430 = arith.index_cast %scan3A_80 : i32 to index
          %get3A_431 = arith.index_cast %get3A_429 : i32 to index
          %get3A_432 = arith.index_cast %select_n3A_133 : i32 to index
          %get3A_433 = arith.index_cast %mul3A_151 : i32 to index
          %get3A_434 = tpu.vector_load %arg6[%get3A_430, %get3A_431, %get3A_432, %get3A_433] {strides = array<i32>} : memref<2x20x8x128xf32, #tpu.memory_space<vmem>>, vector<16xf32>,
          %sub3A_435 = arith.subf %get3A_428, %get3A_434 : vector<16xf32>
          %mul3A_436 = arith.mulf %sub3A_435, %sub3A_435 : vector<16xf32>
          %add3A_437 = arith.addf %add3A_422, %mul3A_436 : vector<16xf32>
          %mul3A_438 = arith.constant 0.142857149 : f32
          %mul3A_439 = vector.broadcast %mul3A_438 : f32 to vector<16xf32>
          %mul3A_440 = arith.mulf %get3A_228, %mul3A_439 : vector<16xf32>
          %mul3A_441 = arith.constant 5.000000e-01 : f32
          %mul3A_442 = vector.broadcast %mul3A_441 : f32 to vector<16xf32>
          %mul3A_443 = arith.mulf %mul3A_442, %get3A_228 : vector<16xf32>
          %mul3A_444 = arith.constant 5.000000e-01 : f32
          %mul3A_445 = vector.broadcast %mul3A_444 : f32 to vector<16xf32>
          %mul3A_446 = arith.mulf %mul3A_445, %get3A_234 : vector<16xf32>
          %sub3A_447 = arith.subf %mul3A_440, %mul3A_443 : vector<16xf32>
          %sub3A_448 = arith.subf %mul3A_440, %mul3A_446 : vector<16xf32>
          %add3A_449 = arith.addf %mul3A_440, %mul3A_443 : vector<16xf32>
          %add3A_450 = arith.addf %mul3A_440, %mul3A_446 : vector<16xf32>
          %mul3A_451 = arith.mulf %get3A_228, %get3A_234 : vector<16xf32>
          %mul3A_452 = arith.constant 0.142857149 : f32
          %mul3A_453 = vector.broadcast %mul3A_452 : f32 to vector<16xf32>
          %mul3A_454 = arith.mulf %get3A_168, %mul3A_453 : vector<16xf32>
          %mul3A_455 = arith.constant 0.142857149 : f32
          %mul3A_456 = vector.broadcast %mul3A_455 : f32 to vector<16xf32>
          %mul3A_457 = arith.mulf %get3A_198, %mul3A_456 : vector<16xf32>
          %mul3A_458 = arith.constant 5.000000e-01 : f32
          %mul3A_459 = vector.broadcast %mul3A_458 : f32 to vector<16xf32>
          %mul3A_460 = arith.mulf %mul3A_459, %get3A_168 : vector<16xf32>
          %mul3A_461 = arith.constant 5.000000e-01 : f32
          %mul3A_462 = vector.broadcast %mul3A_461 : f32 to vector<16xf32>
          %mul3A_463 = arith.mulf %mul3A_462, %get3A_174 : vector<16xf32>
          %add3A_464 = arith.addf %mul3A_454, %mul3A_460 : vector<16xf32>
          %min3A = arith.minimumf %add3A_464, %add3A_449 : vector<16xf32>
          %sub3A_465 = arith.subf %mul3A_454, %mul3A_460 : vector<16xf32>
          %max3A = arith.maximumf %sub3A_465, %sub3A_447 : vector<16xf32>
          %sub3A_466 = arith.subf %min3A, %max3A : vector<16xf32>
          %max3A_467 = arith.constant 0.000000e+00 : f32
          %max3A_468 = vector.broadcast %max3A_467 : f32 to vector<16xf32>
          %max3A_469 = arith.maximumf %sub3A_466, %max3A_468 : vector<16xf32>
          %add3A_470 = arith.addf %mul3A_457, %mul3A_463 : vector<16xf32>
          %min3A_471 = arith.minimumf %add3A_470, %add3A_450 : vector<16xf32>
          %sub3A_472 = arith.subf %mul3A_457, %mul3A_463 : vector<16xf32>
          %max3A_473 = arith.maximumf %sub3A_472, %sub3A_448 : vector<16xf32>
          %sub3A_474 = arith.subf %min3A_471, %max3A_473 : vector<16xf32>
          %max3A_475 = arith.constant 0.000000e+00 : f32
          %max3A_476 = vector.broadcast %max3A_475 : f32 to vector<16xf32>
          %max3A_477 = arith.maximumf %sub3A_474, %max3A_476 : vector<16xf32>
          %mul3A_478 = arith.mulf %max3A_469, %max3A_477 : vector<16xf32>
          %mul3A_479 = arith.mulf %get3A_168, %get3A_174 : vector<16xf32>
          %add3A_480 = arith.addf %mul3A_479, %mul3A_451 : vector<16xf32>
          %sub3A_481 = arith.subf %add3A_480, %mul3A_478 : vector<16xf32>
          %mul3A_482 = arith.constant 5.000000e-01 : f32
          %mul3A_483 = vector.broadcast %mul3A_482 : f32 to vector<16xf32>
          %mul3A_484 = arith.mulf %mul3A_483, %get3A_198 : vector<16xf32>
          %mul3A_485 = arith.constant 5.000000e-01 : f32
          %mul3A_486 = vector.broadcast %mul3A_485 : f32 to vector<16xf32>
          %mul3A_487 = arith.mulf %mul3A_486, %get3A_204 : vector<16xf32>
          %add3A_488 = arith.addf %mul3A_454, %mul3A_484 : vector<16xf32>
          %min3A_489 = arith.minimumf %add3A_488, %add3A_449 : vector<16xf32>
          %sub3A_490 = arith.subf %mul3A_454, %mul3A_484 : vector<16xf32>
          %max3A_491 = arith.maximumf %sub3A_490, %sub3A_447 : vector<16xf32>
          %sub3A_492 = arith.subf %min3A_489, %max3A_491 : vector<16xf32>
          %max3A_493 = arith.constant 0.000000e+00 : f32
          %max3A_494 = vector.broadcast %max3A_493 : f32 to vector<16xf32>
          %max3A_495 = arith.maximumf %sub3A_492, %max3A_494 : vector<16xf32>
          %add3A_496 = arith.addf %mul3A_457, %mul3A_487 : vector<16xf32>
          %min3A_497 = arith.minimumf %add3A_496, %add3A_450 : vector<16xf32>
          %sub3A_498 = arith.subf %mul3A_457, %mul3A_487 : vector<16xf32>
          %max3A_499 = arith.maximumf %sub3A_498, %sub3A_448 : vector<16xf32>
          %sub3A_500 = arith.subf %min3A_497, %max3A_499 : vector<16xf32>
          %max3A_501 = arith.constant 0.000000e+00 : f32
          %max3A_502 = vector.broadcast %max3A_501 : f32 to vector<16xf32>
          %max3A_503 = arith.maximumf %sub3A_500, %max3A_502 : vector<16xf32>
          %mul3A_504 = arith.mulf %max3A_495, %max3A_503 : vector<16xf32>
          %mul3A_505 = arith.mulf %get3A_198, %get3A_204 : vector<16xf32>
          %add3A_506 = arith.addf %mul3A_505, %mul3A_451 : vector<16xf32>
          %sub3A_507 = arith.subf %add3A_506, %mul3A_504 : vector<16xf32>
          %mul3A_508 = arith.mulf %mul3A_478, %sub3A_507 : vector<16xf32>
          %mul3A_509 = arith.mulf %mul3A_504, %sub3A_481 : vector<16xf32>
          %ge3A = arith.cmpf oge, %mul3A_508, %mul3A_509 : vector<16xf32>
          %select_n3A_510 = arith.select %ge3A, %mul3A_478, %mul3A_504 : vector<16xi1>, vector<16xf32>
          %select_n3A_511 = arith.select %ge3A, %sub3A_481, %sub3A_507 : vector<16xi1>, vector<16xf32>
          %div3A_512 = arith.divf %select_n3A_510, %select_n3A_511 : vector<16xf32>
          %select_n3A_513 = arith.select %ge3A, %get3A_156, %get3A_186 : vector<16xi1>, vector<16xf32>
          %select_n3A_514 = arith.select %ge3A, %get3A_162, %get3A_192 : vector<16xi1>, vector<16xf32>
          %select_n3A_515 = arith.select %ge3A, %get3A_168, %get3A_198 : vector<16xi1>, vector<16xf32>
          %select_n3A_516 = arith.select %ge3A, %get3A_174, %get3A_204 : vector<16xi1>, vector<16xf32>
          %select_n3A_517 = arith.select %ge3A, %get3A_180, %get3A_210 : vector<16xi1>, vector<16xf32>
          %select_n3A_518 = arith.select %ge3A, %get3A_216, %get3A_246 : vector<16xi1>, vector<16xf32>
          %select_n3A_519 = arith.select %ge3A, %get3A_222, %get3A_252 : vector<16xi1>, vector<16xf32>
          %select_n3A_520 = arith.select %ge3A, %get3A_228, %get3A_258 : vector<16xi1>, vector<16xf32>
          %select_n3A_521 = arith.select %ge3A, %get3A_234, %get3A_264 : vector<16xi1>, vector<16xf32>
          %sub3A_522 = arith.subf %select_n3A_513, %select_n3A_518 : vector<16xf32>
          %mul3A_523 = arith.mulf %sub3A_522, %sub3A_522 : vector<16xf32>
          %sub3A_524 = arith.subf %select_n3A_514, %select_n3A_519 : vector<16xf32>
          %mul3A_525 = arith.mulf %sub3A_524, %sub3A_524 : vector<16xf32>
          %add3A_526 = arith.addf %mul3A_523, %mul3A_525 : vector<16xf32>
          %add3A_527 = arith.addf %select_n3A_515, %select_n3A_520 : vector<16xf32>
          %mul3A_528 = arith.mulf %select_n3A_515, %select_n3A_520 : vector<16xf32>
          %bitcast3A = vector.bitcast %mul3A_528 : vector<16xf32> to vector<16xi32>
          %shift_right_arithmetic3A = arith.constant 1 : i32
          %shift_right_arithmetic3A_529 = vector.broadcast %shift_right_arithmetic3A : i32 to vector<16xi32>
          %shift_right_arithmetic3A_530 = arith.shrsi %bitcast3A, %shift_right_arithmetic3A_529 : vector<16xi32>
          %sub3A_531 = arith.constant 1597463007 : i32
          %sub3A_532 = vector.broadcast %sub3A_531 : i32 to vector<16xi32>
          %sub3A_533 = arith.subi %sub3A_532, %shift_right_arithmetic3A_530 : vector<16xi32>
          %bitcast3A_534 = vector.bitcast %sub3A_533 : vector<16xi32> to vector<16xf32>
          %mul3A_535 = arith.constant 5.000000e-01 : f32
          %mul3A_536 = vector.broadcast %mul3A_535 : f32 to vector<16xf32>
          %mul3A_537 = arith.mulf %mul3A_536, %mul3A_528 : vector<16xf32>
          %mul3A_538 = arith.mulf %mul3A_537, %bitcast3A_534 : vector<16xf32>
          %mul3A_539 = arith.mulf %mul3A_538, %bitcast3A_534 : vector<16xf32>
          %sub3A_540 = arith.constant 1.500000e+00 : f32
          %sub3A_541 = vector.broadcast %sub3A_540 : f32 to vector<16xf32>
          %sub3A_542 = arith.subf %sub3A_541, %mul3A_539 : vector<16xf32>
          %mul3A_543 = arith.mulf %bitcast3A_534, %sub3A_542 : vector<16xf32>
          %mul3A_544 = arith.constant 5.000000e-01 : f32
          %mul3A_545 = vector.broadcast %mul3A_544 : f32 to vector<16xf32>
          %mul3A_546 = arith.mulf %mul3A_545, %mul3A_528 : vector<16xf32>
          %mul3A_547 = arith.mulf %mul3A_546, %mul3A_543 : vector<16xf32>
          %mul3A_548 = arith.mulf %mul3A_547, %mul3A_543 : vector<16xf32>
          %sub3A_549 = arith.constant 1.500000e+00 : f32
          %sub3A_550 = vector.broadcast %sub3A_549 : f32 to vector<16xf32>
          %sub3A_551 = arith.subf %sub3A_550, %mul3A_548 : vector<16xf32>
          %mul3A_552 = arith.mulf %mul3A_543, %sub3A_551 : vector<16xf32>
          %mul3A_553 = arith.constant 5.000000e-01 : f32
          %mul3A_554 = vector.broadcast %mul3A_553 : f32 to vector<16xf32>
          %mul3A_555 = arith.mulf %mul3A_554, %mul3A_528 : vector<16xf32>
          %mul3A_556 = arith.mulf %mul3A_555, %mul3A_552 : vector<16xf32>
          %mul3A_557 = arith.mulf %mul3A_556, %mul3A_552 : vector<16xf32>
          %sub3A_558 = arith.constant 1.500000e+00 : f32
          %sub3A_559 = vector.broadcast %sub3A_558 : f32 to vector<16xf32>
          %sub3A_560 = arith.subf %sub3A_559, %mul3A_557 : vector<16xf32>
          %mul3A_561 = arith.mulf %mul3A_552, %sub3A_560 : vector<16xf32>
          %eq3A_562 = arith.constant 0.000000e+00 : f32
          %eq3A_563 = vector.broadcast %eq3A_562 : f32 to vector<16xf32>
          %eq3A_564 = arith.cmpf oeq, %mul3A_528, %eq3A_563 : vector<16xf32>
          %mul3A_565 = arith.mulf %mul3A_528, %mul3A_561 : vector<16xf32>
          %jit3A_566 = arith.constant 0.000000e+00 : f32
          %broadcast_in_dim3A_567 = vector.broadcast %jit3A_566 : f32 to vector<16xf32>
          %select_n3A_568 = arith.select %eq3A_564, %broadcast_in_dim3A_567, %mul3A_565 : vector<16xi1>, vector<16xf32>
          %mul3A_569 = arith.constant 2.000000e+00 : f32
          %mul3A_570 = vector.broadcast %mul3A_569 : f32 to vector<16xf32>
          %mul3A_571 = arith.mulf %mul3A_570, %select_n3A_568 : vector<16xf32>
          %sub3A_572 = arith.subf %add3A_527, %mul3A_571 : vector<16xf32>
          %add3A_573 = arith.addf %sub3A_572, %select_n3A_516 : vector<16xf32>
          %add3A_574 = arith.addf %add3A_573, %select_n3A_521 : vector<16xf32>
          %mul3A_575 = arith.mulf %select_n3A_516, %select_n3A_521 : vector<16xf32>
          %bitcast3A_576 = vector.bitcast %mul3A_575 : vector<16xf32> to vector<16xi32>
          %shift_right_arithmetic3A_577 = arith.constant 1 : i32
          %shift_right_arithmetic3A_578 = vector.broadcast %shift_right_arithmetic3A_577 : i32 to vector<16xi32>
          %shift_right_arithmetic3A_579 = arith.shrsi %bitcast3A_576, %shift_right_arithmetic3A_578 : vector<16xi32>
          %sub3A_580 = arith.constant 1597463007 : i32
          %sub3A_581 = vector.broadcast %sub3A_580 : i32 to vector<16xi32>
          %sub3A_582 = arith.subi %sub3A_581, %shift_right_arithmetic3A_579 : vector<16xi32>
          %bitcast3A_583 = vector.bitcast %sub3A_582 : vector<16xi32> to vector<16xf32>
          %mul3A_584 = arith.constant 5.000000e-01 : f32
          %mul3A_585 = vector.broadcast %mul3A_584 : f32 to vector<16xf32>
          %mul3A_586 = arith.mulf %mul3A_585, %mul3A_575 : vector<16xf32>
          %mul3A_587 = arith.mulf %mul3A_586, %bitcast3A_583 : vector<16xf32>
          %mul3A_588 = arith.mulf %mul3A_587, %bitcast3A_583 : vector<16xf32>
          %sub3A_589 = arith.constant 1.500000e+00 : f32
          %sub3A_590 = vector.broadcast %sub3A_589 : f32 to vector<16xf32>
          %sub3A_591 = arith.subf %sub3A_590, %mul3A_588 : vector<16xf32>
          %mul3A_592 = arith.mulf %bitcast3A_583, %sub3A_591 : vector<16xf32>
          %mul3A_593 = arith.constant 5.000000e-01 : f32
          %mul3A_594 = vector.broadcast %mul3A_593 : f32 to vector<16xf32>
          %mul3A_595 = arith.mulf %mul3A_594, %mul3A_575 : vector<16xf32>
          %mul3A_596 = arith.mulf %mul3A_595, %mul3A_592 : vector<16xf32>
          %mul3A_597 = arith.mulf %mul3A_596, %mul3A_592 : vector<16xf32>
          %sub3A_598 = arith.constant 1.500000e+00 : f32
          %sub3A_599 = vector.broadcast %sub3A_598 : f32 to vector<16xf32>
          %sub3A_600 = arith.subf %sub3A_599, %mul3A_597 : vector<16xf32>
          %mul3A_601 = arith.mulf %mul3A_592, %sub3A_600 : vector<16xf32>
          %mul3A_602 = arith.constant 5.000000e-01 : f32
          %mul3A_603 = vector.broadcast %mul3A_602 : f32 to vector<16xf32>
          %mul3A_604 = arith.mulf %mul3A_603, %mul3A_575 : vector<16xf32>
          %mul3A_605 = arith.mulf %mul3A_604, %mul3A_601 : vector<16xf32>
          %mul3A_606 = arith.mulf %mul3A_605, %mul3A_601 : vector<16xf32>
          %sub3A_607 = arith.constant 1.500000e+00 : f32
          %sub3A_608 = vector.broadcast %sub3A_607 : f32 to vector<16xf32>
          %sub3A_609 = arith.subf %sub3A_608, %mul3A_606 : vector<16xf32>
          %mul3A_610 = arith.mulf %mul3A_601, %sub3A_609 : vector<16xf32>
          %eq3A_611 = arith.constant 0.000000e+00 : f32
          %eq3A_612 = vector.broadcast %eq3A_611 : f32 to vector<16xf32>
          %eq3A_613 = arith.cmpf oeq, %mul3A_575, %eq3A_612 : vector<16xf32>
          %mul3A_614 = arith.mulf %mul3A_575, %mul3A_610 : vector<16xf32>
          %jit3A_615 = arith.constant 0.000000e+00 : f32
          %broadcast_in_dim3A_616 = vector.broadcast %jit3A_615 : f32 to vector<16xf32>
          %select_n3A_617 = arith.select %eq3A_613, %broadcast_in_dim3A_616, %mul3A_614 : vector<16xi1>, vector<16xf32>
          %mul3A_618 = arith.constant 2.000000e+00 : f32
          %mul3A_619 = vector.broadcast %mul3A_618 : f32 to vector<16xf32>
          %mul3A_620 = arith.mulf %mul3A_619, %select_n3A_617 : vector<16xf32>
          %sub3A_621 = arith.subf %add3A_574, %mul3A_620 : vector<16xf32>
          %sub3A_622 = arith.subf %select_n3A_517, %div3A_512 : vector<16xf32>
          %mul3A_623 = arith.mulf %sub3A_622, %sub3A_622 : vector<16xf32>
          %add3A_624 = arith.addf %add3A_526, %sub3A_621 : vector<16xf32>
          %mul3A_625 = arith.constant 5.000000e+00 : f32
          %mul3A_626 = vector.broadcast %mul3A_625 : f32 to vector<16xf32>
          %mul3A_627 = arith.mulf %mul3A_626, %add3A_624 : vector<16xf32>
          %add3A_628 = arith.addf %mul3A_627, %mul3A_623 : vector<16xf32>
          %mul3A_629 = arith.mulf %select_n3A_277, %add3A_628 : vector<16xf32>
          %mul3A_630 = arith.mulf %add3A_437, %select_n3A_277 : vector<16xf32>
          %add3A_631 = arith.addf %mul3A_629, %mul3A_630 : vector<16xf32>
          %mul3A_632 = arith.constant 5.000000e-01 : f32
          %mul3A_633 = vector.broadcast %mul3A_632 : f32 to vector<16xf32>
          %mul3A_634 = arith.mulf %mul3A_633, %select_n3A_288 : vector<16xf32>
          %add3A_635 = arith.addf %add3A_631, %mul3A_634 : vector<16xf32>
          %add3A_636 = arith.addf %scan3A_109, %add3A_635 : vector<16xf32>
          scf.yield %add3A_636 : vector<16xf32>
        }
        %scan3A_107 = arith.constant 56 : i32
        scf.yield %scan3A_106 : vector<16xf32>
      } else {
        scf.yield %scan3A_81 : vector<16xf32>
      }
      scf.yield %cond3A_98 : vector<16xf32>
    }
    %scan3A_78 = arith.constant 2 : i32
    %swap3A = arith.constant 0 : index
    %swap3A_79 = tpu.vector_load %arg7[%swap3A] {strides = array<i32>} : memref<16xf32, #tpu.memory_space<vmem>>, vector<16xf32>,
    tpu.vector_store %arg7[%swap3A], %scan3A_77 {strides = array<i32>} : memref<16xf32, #tpu.memory_space<vmem>>, vector<16xf32>,
    "tpu.region"() ({
      %run_scoped3A = tpu.sem_alloc : memref<!tpu.dma_semaphore, #tpu.memory_space<semaphore_mem>>
      %dma_start3A_80 = arith.constant 0 : i32
      %dma_start3A_81 = tpu.memref_slice %arg4[%add3A, %dma_start3A_80] : memref<32x16xf32, #tpu.memory_space<hbm>> -> memref<1x16xf32, #tpu.memory_space<hbm>>
      %dma_start3A_82 = tpu.memref_squeeze %dma_start3A_81 : memref<1x16xf32, #tpu.memory_space<hbm>> -> memref<16xf32, #tpu.memory_space<hbm>>
      %dma_start3A_83 = arith.constant 0 : i32
      %dma_start3A_84 = tpu.memref_slice %arg4[%add3A, %dma_start3A_83] : memref<32x16xf32, #tpu.memory_space<hbm>> -> memref<1x16xf32, #tpu.memory_space<hbm>>
      %dma_start3A_85 = tpu.memref_squeeze %dma_start3A_84 : memref<1x16xf32, #tpu.memory_space<hbm>> -> memref<16xf32, #tpu.memory_space<hbm>>
      tpu.enqueue_dma source(%arg7 : memref<16xf32, #tpu.memory_space<vmem>>) target(%dma_start3A_85 : memref<16xf32, #tpu.memory_space<hbm>>) target_semaphore(%run_scoped3A : memref<!tpu.dma_semaphore, #tpu.memory_space<semaphore_mem>>)
      %dma_wait3A = arith.constant 0 : i32
      %dma_wait3A_86 = tpu.memref_slice %arg4[%add3A, %dma_wait3A] : memref<32x16xf32, #tpu.memory_space<hbm>> -> memref<1x16xf32, #tpu.memory_space<hbm>>
      %dma_wait3A_87 = tpu.memref_squeeze %dma_wait3A_86 : memref<1x16xf32, #tpu.memory_space<hbm>> -> memref<16xf32, #tpu.memory_space<hbm>>
      %dma_wait3A_88 = arith.constant 0 : i32
      %dma_wait3A_89 = tpu.memref_slice %arg4[%add3A, %dma_wait3A_88] : memref<32x16xf32, #tpu.memory_space<hbm>> -> memref<1x16xf32, #tpu.memory_space<hbm>>
      %dma_wait3A_90 = tpu.memref_squeeze %dma_wait3A_89 : memref<1x16xf32, #tpu.memory_space<hbm>> -> memref<16xf32, #tpu.memory_space<hbm>>
      tpu.wait_dma2 semaphore(%run_scoped3A : memref<!tpu.dma_semaphore, #tpu.memory_space<semaphore_mem>>) src(%arg7 : memref<16xf32, #tpu.memory_space<vmem>>) dst(%dma_wait3A_90 : memref<16xf32, #tpu.memory_space<hbm>>)
      tpu.yield
    }) : () -> ()
    return
  }
}

</mosaic_0001>

<sc_bundles>
// kernel: _yolo_sc.3.cloned.1.call-start
scs
__scs_entry_jumppad:
0x0: {  	(pc) =	sbr.rel $0x88, $3  }
0x1: {  	(tag) =	ssettag $0x0;
	lr =	simm.s32 $0x1  }
0x2: {  	[smem:$0x3F9F] =	sst lr;
	_ =	strace $0xD0000000  }
0x3: {  	_ = 	snop  }
0x4: {  	_ = 	snop  }
0x5: {  	_ = 	snop  }
0x6: {  	_ = 	snop  }
0x7: {  	_ = 	snop  }
__scs_overlays_trampoline_lowered:
0x8: {  	[smem:$0x3FAE] =	sst s0  }
0x9: {  	[smem:$0x3FAF] =	sst s1  }
0xa: {  	[smem:$0x3FB0] =	sst s2  }
0xb: {  	[smem:$0x3FB1] =	sst s3  }
0xc: {  	[smem:$0x3FB2] =	sst s4  }
0xd: {  	[smem:$0x3FB3] =	sst s5  }
0xe: {  	[smem:$0x3FB4] =	sst s6  }
0xf: {  	[smem:$0x3FB5] =	sst s7  }
0x10: {  	[smem:$0x3FB6] =	sst s8  }
0x11: {  	[smem:$0x3FB7] =	sst s9;
	s0 =	simm.s32 @!p0 $0x0  }
0x12: {  	s1 =	sld [smem:$0x3F9D];
	s0 =	simm.s32 @p0 $0x1  }
0x13: {  	[smem:$0x3FB8] =	sst s0;
	s0 =	simm.s32 @!p1 $0x0  }
0x14: {  	s2 =	sld [smem:$0x3F9C];
	s0 =	simm.s32 @p1 $0x1  }
0x15: {  	[smem:$0x3FB9] =	sst s0;
	s0 =	simm.s32 @!p2 $0x0  }
0x16: {  	s3 =	sld [smem:$0x3FDB];
	s0 =	simm.s32 @p2 $0x1  }
0x17: {  	s4 =	simm.s32 $0x1BF5;
	[smem:$0x3FBB] =	sst s0  }
0x18: {  	s0 =	sld [smem:$0x3F9E];
	_ =	swait.ge [sflag:s4], $0x0  }
0x19: {  	s7 =	sld [smem:$0x3F9F]  }
0x1a: {  	s8 =	sadd.s32 $0xFFFFE003, lr  }
0x1b: {  	s9 =	sadd.s32 $0xFFFFFEF7, lr;
	s5 =	simm.s32 $0xFFFFFFFF;
	p2 =	slt.u32 s8, $0xFFFFF086  }
0x1c: {  	p1 =	slt.u32 s9, $0xF7A;
	s5 =	simm.s32 @!p2 $0x0  }
0x1d: {  	s5 =	simm.s32 @p1 $0x1;
	p0 =	seq.s32 s7, s2  }
0x1e: {  	s7 =	smul.u32 @!p0 $0xF7A, s2;
	p2 =	seq.s32 @!p0 s5, $0x0  }
0x1f: {  	s9 =	smul.u32 $0xF7A, s1;
	s8 =	simm.s32 @!p0 $0x1BF5;
	p2 =	por !p2, p0  }
0x20: {  	[sflag:s8] =	ssyncset.s32 @!p0 $0xFFFFF086;
	s6 =	sadd.s32 @!p0 s3, s7;
	s7 =	simm.s32 @!p0 $0x108  }
0x21: {  	s3 =	sadd.s32 s3, s9;
	s6 =	sadd.s32 @!p0 $0x88, s6;
	s7 =	simm.s32 @p2 $0x1082  }
0x22: {  	[simem:s7], [sflag:s8] =	dma.local @!p0 [hbm:s6], $0xF7A  }
0x23: {  	s9 =	sor.u32 $0xD0000000, s2;
	s6 =	simm.s32 $0x108;
	_ =	swait.ge @!p0 [sflag:s8], $0x0  }
0x24: {  	s3 =	sadd.s32 $0x88, s3;
	s6 =	simm.s32 @!p1 $0x1082;
	[sflag:s4] =	ssyncset.s32 $0xFFFFF086  }
0x25: {  	[simem:s6], [sflag:s4] =	dma.local [hbm:s3], $0xF7A  }
0x26: {  	[smem:$0x3F9F] =	sst s1;
	(tag) =	ssettag s2;
	_ =	strace s9  }
0x27: {  	s1 =	sld [smem:$0x3FAF]  }
0x28: {  	s2 =	sld [smem:$0x3FB0]  }
0x29: {  	s4 =	sld [smem:$0x3FB2]  }
0x2a: {  	p0 =	seq.s32 s5, $0x0;
	s5 =	sld [smem:$0x3FB3]  }
0x2b: {  	s6 =	sld [smem:$0x3FB4]  }
0x2c: {  	s7 =	sld [smem:$0x3FB5]  }
0x2d: {  	s3 =	simm.s32 $0x108;
	s8 =	sld [smem:$0x3FB6]  }
0x2e: {  	s3 =	simm.s32 @!p0 $0x1082;
	s9 =	sld [smem:$0x3FB7]  }
0x2f: {  	lr =	sadd.s32 s0, s3;
	s0 =	sld [smem:$0x3FAE]  }
0x30: {  	s3 =	sld [smem:$0x3FB1]  }
0x31: {  	[smem:$0x3FBA] =	sst s10  }
0x32: {  	s10 =	sld [smem:$0x3FB8];
	_ =	sdelay $0x3  }
0x33: {  	p0 =	seq.s32 s10, $0x1;
	s10 =	sld [smem:$0x3FBA];
	_ =	sdelay $0x3  }
0x34: {  	[smem:$0x3FBA] =	sst s10  }
0x35: {  	s10 =	sld [smem:$0x3FB9];
	_ =	sdelay $0x3  }
0x36: {  	p1 =	seq.s32 s10, $0x1;
	s10 =	sld [smem:$0x3FBA];
	_ =	sdelay $0x3  }
0x37: {  	[smem:$0x3FBA] =	sst s10  }
0x38: {  	s10 =	sld [smem:$0x3FBB]  }
0x39: {  	_ = 	snop;
	(pc) =	sbr.ind lr, $3  }
0x3a: {  	_ = 	snop  }
0x3b: {  	_ = 	snop  }
0x3c: {  	p2 =	seq.s32 s10, $0x1;
	s10 =	sld [smem:$0x3FBA]  }
0x3d: {  	_ =	shalt  }
0x3e: {  	_ =	shalt  }
0x3f: {  	_ =	shalt  }
0x40: {  	_ =	shalt  }
0x41: {  	_ =	shalt  }
0x42: {  	_ =	shalt  }
0x43: {  	_ =	shalt  }
0x44: {  	_ =	shalt  }
0x45: {  	_ =	shalt  }
0x46: {  	_ =	shalt  }
0x47: {  	_ =	shalt  }
0x48: {  	_ =	shalt  }
0x49: {  	_ =	shalt  }
0x4a: {  	_ =	shalt  }
0x4b: {  	_ =	shalt  }
0x4c: {  	_ =	shalt  }
0x4d: {  	_ =	shalt  }
0x4e: {  	_ =	shalt  }
0x4f: {  	_ =	shalt  }
0x50: {  	_ =	shalt  }
0x51: {  	_ =	shalt  }
0x52: {  	_ =	shalt  }
0x53: {  	_ =	shalt  }
0x54: {  	_ =	shalt  }
0x55: {  	_ =	shalt  }
0x56: {  	_ =	shalt  }
0x57: {  	_ =	shalt  }
0x58: {  	_ =	shalt  }
0x59: {  	_ =	shalt  }
0x5a: {  	_ =	shalt  }
0x5b: {  	_ =	shalt  }
0x5c: {  	_ =	shalt  }
0x5d: {  	_ =	shalt  }
0x5e: {  	_ =	shalt  }
0x5f: {  	_ =	shalt  }
0x60: {  	_ =	shalt  }
0x61: {  	_ =	shalt  }
0x62: {  	_ =	shalt  }
0x63: {  	_ =	shalt  }
0x64: {  	_ =	shalt  }
0x65: {  	_ =	shalt  }
0x66: {  	_ =	shalt  }
0x67: {  	_ =	shalt  }
0x68: {  	_ =	shalt  }
0x69: {  	_ =	shalt  }
0x6a: {  	_ =	shalt  }
0x6b: {  	_ =	shalt  }
0x6c: {  	_ =	shalt  }
0x6d: {  	_ =	shalt  }
0x6e: {  	_ =	shalt  }
0x6f: {  	_ =	shalt  }
0x70: {  	_ =	shalt  }
0x71: {  	_ =	shalt  }
0x72: {  	_ =	shalt  }
0x73: {  	_ =	shalt  }
0x74: {  	_ =	shalt  }
0x75: {  	_ =	shalt  }
0x76: {  	_ =	shalt  }
0x77: {  	_ =	shalt  }
0x78: {  	_ =	shalt  }
0x79: {  	_ =	shalt  }
0x7a: {  	_ =	shalt  }
0x7b: {  	_ =	shalt  }
0x7c: {  	_ =	shalt  }
0x7d: {  	_ =	shalt  }
0x7e: {  	_ =	shalt  }
0x7f: {  	_ =	shalt  }
0x80: {  	_ =	shalt  }
0x81: {  	_ =	shalt  }
0x82: {  	_ =	shalt  }
0x83: {  	_ =	shalt  }
0x84: {  	_ =	shalt  }
0x85: {  	_ =	shalt  }
0x86: {  	_ =	shalt  }
0x87: {  	_ =	shalt  }
.Lfunc_end0:
.L_simem_size_0:
called_computation_lowered:
.L_overlay_start_0:
0x88: {  	s2 =	sld [smem:$0x3FD9]  }
0x89: {  	s3 =	sld [smem:$0x3FFE];
	_ =	sdelay $0x1  }
0x8a: {  	s1 =	srdreg.scid  }
0x8b: {  	s0 =	sand.u32 $0x1, s1  }
0x8c: {  	s17 =	sshll.u32 s0, $0xA;
	s2 =	sadd.s32 s3, s2  }
0x8d: {  	s2 =	sadd.s32 s2, s17  }
0x8e: {  	[smem:$0x3FC6] =	sst s2  }
0x8f: {  	_ = 	snop  }
0x90: {  	s2 =	sld [smem:$0x3FC9]  }
0x91: {  	s18 =	sld [smem:$0x3FC8];
	(tm) =	ssettm $0x1  }
0x92: {  	s4 =	sld [smem:$0x3FFB];
	_ =	sdelay $0x3  }
0x93: {  	_ =	strace s4  }
0x94: {  	s4 =	sld [smem:$0x3FFC];
	_ =	sdelay $0x3  }
0x95: {  	_ =	strace s4  }
0x96: {  	s4 =	sld [smem:$0x3FFD];
	_ =	sdelay $0x3  }
0x97: {  	_ =	strace s4  }
0x98: {  	_ =	strace $0x8FFFFFFF  }
0x99: {  	s19 =	sld [smem:$0x3FDB];
	_ =	sdelay $0x1  }
0x9a: {  	s5 =	simm.s32 $_scs_section_size  }
0x9b: {  	s6 =	simm.s32 $_size__tile_overlayer_lowered;
	s7 =	simm.s32 $_tile_overlayer_lowered  }
0x9c: {  	s22 =	simm.s32 $0x1BFF;
	s21 =	sshll.u32 s7, $0x1;
	s4 =	sadd.s32 s5, s19  }
0x9d: {  	s8 =	simm.s32 $0x0;
	s20 =	sshll.u32 s6, $0x1;
	s6 =	sadd.s32 s21, s4  }
0x9e: {  	[timem:s8], [sflag:s22] =	dma.local [hbm:s6], s20  }
0x9f: {  	_ =	swait.ge [sflag:s22], s20  }
0xa0: {  	s5 =	ssub.s32 $0x0, s20;
	[sflag:s22] =	ssyncset.done $0x0  }
0xa1: {  	[sflag:s22] =	ssyncadd.s32 s5;
	_ =	sdelay $0x1  }
0xa2: {  	s23 =	simm.s32 $0x1B8B  }
0xa3: {  	_ =	swait.ge [sflag:s23], $0x1  }
0xa4: {  	[sflag:s23] =	ssyncset.done $0x0  }
0xa5: {  	s25 =	simm.s32 $0x1B8E;
	s24 =	sld [smem:$0x3FFE];
	[sflag:s23] =	ssyncadd.s32 $0xFFFFFFFF  }
0xa6: {  	s26 =	simm.s32 $execute0_lowered;
	[smem:$0x3FD2] =	sst s25  }
0xa7: {  	s6 =	sshll.u32 s26, $0x1;
	_ =	strace $0x80000046;
	[dreg:$0x1] =	wrdreg $0xFFFFFFFF  }
0xa8: {  	s28 =	simm.s32 $_size_execute0_lowered;
	s4 =	sadd.s32 s4, s6;
	[dreg:$0x0] =	wrdreg $0x0  }
0xa9: {  	s6 =	sshll.u32 s28, $0x1;
	[dreg:$0x2] =	wrdreg s4  }
0xaa: {  	[dreg:$0x3] =	wrdreg s6  }
0xab: {  	[dreg:$0x4] =	wrdreg $0xC0  }
0xac: {  	_ =	task [dreg:s8], $0x5FFFF  }
0xad: {  	[dreg:$0x1] =	wrdreg $0xFFFFFFFF  }
0xae: {  	[dreg:$0x0] =	wrdreg $0x60  }
0xaf: {  	[dreg:$0x2] =	wrdreg s2  }
0xb0: {  	[dreg:$0x3] =	wrdreg s18  }
0xb1: {  	[dreg:$0x4] =	wrdreg s24  }
0xb2: {  	[dreg:$0x5] =	wrdreg $0x9  }
0xb3: {  	_ =	task.clear_ibuf [dreg:s8], $0x6FFFF;
	_ =	strace $0x90000046  }
0xb4: {  	s29 =	simm.s32 $0x9;
	_ =	strace $0x80000048  }
0xb5: {  	_ =	swait.ge [sflag:s29], $0x1  }
0xb6: {  	[sflag:s29] =	ssyncadd.s32 $0xFFFFFFFF  }
0xb7: {  	_ =	strace $0x90000048  }
0xb8: {  	_ =	sfence  }
0xb9: {  	s30 =	sld [smem:$0x0];
	_ =	sdelay $0x2  }
0xba: {  	s31 =	sshll.u32 s1, $0xD;
	s1 =	sshrl.u32 s1, $0x2  }
0xbb: {  	s3 =	sand.u32 $0x4000, s31;
	s1 =	sadd.s32 s1, s30  }
0xbc: {  	s0 =	sor.u32 s3, s0;
	s1 =	sshll.u32 s1, $0x11  }
0xbd: {  	s0 =	sor.u32 s1, s0  }
0xbe: {  	s0 =	sadd.s32 $0x8F2B, s0  }
0xbf: {  	[sflag:s0] =	ssyncadd.remote.s32 $0x1  }
0xc0: {  	_ =	sfence.sel $0xFFFF  }
0xc1: {  	[dreg:$0x0] =	wrdreg $0xFFFFFFFF;
	(pc) =	sbr.abs _section_cstart, $3  }
0xc2: {  	[dreg:$0x1] =	wrdreg $0xFFFFFFFF  }
0xc3: {  	_ =	task.clear_ibuf [dreg:s8], $0x2FFFF;
	_ =	strace $0x9FFFFFFF  }
0xc4: {  	(tm) =	ssettm $0x7FFFFFFF  }
0xc5: {  	_ =	shalt  }
tec
execute0_lowered:
.L_overlay_start_1:
0x0: {  	(tag) =	ssettag $0x1  }
0x1: {  	s5 =	rddreg [dreg:$0x0]  }
0x2: {  	s6 =	rddreg [dreg:$0x1];
	s1 =	srdreg.scid  }
0x3: {  	s0 =	stileid.u32;
	s7 =	rddreg [dreg:$0x2]  }
0x4: {  	s3 =	sand.u32 $0x1, s1;
	s2 =	sshll.u32 s0, $0x1;
	s1 =	rddreg [dreg:$0x3]  }
0x5: {  	s4 =	sshrl.u32 s0, $0x2;
	p0 =	sgt.u32 s0, $0xB;
	s8 =	sor.u32 s3, s2  }
0x6: {  	s2 =	simm.s32 $0x0;
	s4 =	smul.u32 $0x28000, s4;
	s3 =	ssub.s32 $0x2, s3  }
0x7: {  	s9 =	sshll.u32 s8, $0xA;
	[smem:$0x7FF] =	sst s2;
	s10 =	sshrl.u32 s3, $0x1  }
0x8: {  	s8 =	sshll.u32 s8, $0x4;
	s9 =	sand.u32 $0x1C00, s9;
	_ =	strace $0x80000047  }
.Ltmp0:
0x9: {  	s29 =	ssub.s32 s3, s10;
	s7 =	sadd.s32 s7, s8;
	(pc) =	sbr.rel .LBB2_1-.Ltmp0, $4  }
0xa: {  	s10 =	simm.s32 $0x3;
	s4 =	sor.u32 s4, s9;
	s8 =	smax.u32 s29, $0x1  }
0xb: {  	s9 =	simm.s32 $0x14000;
	s30 =	sshrl.u32 s4, $0x3;
	s11 =	sadd.s32 $0xA0000, s4  }
0xc: {  	s3 =	sadd.s32 s5, s30;
	s4 =	sadd.s32 s6, s30;
	s31 =	sshrl.u32 s11, $0x3  }
0xd: {  	v0 =	vimm.f32 $0.0e+00;
	s11 =	simm.s32 $0x0;
	s5 =	sadd.s32 s5, s31;
	s6 =	sadd.s32 s6, s31  }
.LBB2_18:
0xe: {  	s11 =	sadd.s32 $0x1, s11  }
0xf: {  	p1 =	sne.s32 s11, s8  }
.Ltmp1:
0x10: {  	[tilespmem:$0x14000] =	vst v1;
	(pc) =	sbr.rel @!p1 .LBB2_19-.Ltmp1, $4  }
0x11: {  	[hbm4b:s7+s2] =	stream.linear.scatter [tilespmem:s9], [sflag:$0x3], $0x80, $0x38;
	[tilespmem:$0x14080] =	vst v63  }
0x12: {  	_ =	swait.ge [sflag:s10], $0x80  }
0x13: {  	[sflag:s10] =	ssyncset.done $0x0  }
0x14: {  	[sflag:s10] =	ssyncadd.s32 $0xFFFFFF80  }
.LBB2_1:
0x15: {  	s12 =	simm.s32 $0x400  }
0x16: {  	s15 =	sadd.s32 $0x0, s3;
	s13 =	simm.s32 $0x400;
	s14 =	simm.s32 $0x0  }
.LBB2_2:
0x17: {  	[tilespmem:s14], [sflag:$0x1] =	stream.linear.gather [hbm4b:s15+s2], $0x380, $0x38;
	[tilespmem:$0x14080] =	vst v63  }
0x18: {  	s15 =	smov.u32 s12;
	s14 =	smov.u32 s13;
	p1 =	sne.s32 s12, $0x4C00  }
.Ltmp2:
0x19: {  	s12 =	sadd.s32 $0x400, s12;
	(pc) =	sbr.rel @p1 .LBB2_2-.Ltmp2, $2  }
0x1a: {  	_ =	sdelay $0x2  }
0x1b: {  	s13 =	sadd.s32 $0x400, s13;
	s15 =	sadd.s32 s15, s3  }
0x1c: {  	[tilespmem:s14], [sflag:$0x1] =	stream.linear.gather [hbm4b:s15+s2], $0x380, $0x38;
	[tilespmem:$0x14080] =	vst v63  }
0x1d: {  	s12 =	simm.s32 $0xA000  }
0x1e: {  	s13 =	simm.s32 $0x400;
	s15 =	sadd.s32 $0x0, s4;
	s14 =	simm.s32 $0xA400  }
.LBB2_4:
0x1f: {  	[tilespmem:s12], [sflag:$0x1] =	stream.linear.gather [hbm4b:s15+s2], $0x380, $0x38;
	[tilespmem:$0x14080] =	vst v63  }
0x20: {  	s15 =	smov.u32 s13;
	s12 =	smov.u32 s14;
	p1 =	sne.s32 s13, $0x4C00  }
.Ltmp3:
0x21: {  	s13 =	sadd.s32 $0x400, s13;
	(pc) =	sbr.rel @p1 .LBB2_4-.Ltmp3, $2  }
0x22: {  	_ =	sdelay $0x2  }
0x23: {  	s14 =	sadd.s32 $0x400, s14;
	s15 =	sadd.s32 s15, s4  }
.Ltmp4:
0x24: {  	(pc) =	sbr.rel @p0 .LBB2_11-.Ltmp4, $2  }
0x25: {  	_ =	sdelay $0x2  }
0x26: {  	[tilespmem:s12], [sflag:$0x1] =	stream.linear.gather [hbm4b:s15+s2], $0x380, $0x38;
	[tilespmem:$0x14080] =	vst v63  }
0x27: {  	s12 =	simm.s32 $0x5000  }
0x28: {  	s13 =	simm.s32 $0x400;
	s15 =	sadd.s32 $0x0, s5;
	s14 =	simm.s32 $0x5400  }
.LBB2_7:
0x29: {  	[tilespmem:s12], [sflag:$0x2] =	stream.linear.gather [hbm4b:s15+s2], $0x380, $0x38;
	[tilespmem:$0x14080] =	vst v63  }
0x2a: {  	s15 =	smov.u32 s13;
	s12 =	smov.u32 s14;
	p1 =	sne.s32 s13, $0x4C00  }
.Ltmp5:
0x2b: {  	s13 =	sadd.s32 $0x400, s13;
	(pc) =	sbr.rel @p1 .LBB2_7-.Ltmp5, $2  }
0x2c: {  	_ =	sdelay $0x2  }
0x2d: {  	s14 =	sadd.s32 $0x400, s14;
	s15 =	sadd.s32 s15, s5  }
0x2e: {  	[tilespmem:s12], [sflag:$0x2] =	stream.linear.gather [hbm4b:s15+s2], $0x380, $0x38;
	[tilespmem:$0x14080] =	vst v63  }
0x2f: {  	s12 =	simm.s32 $0xF000  }
0x30: {  	s13 =	simm.s32 $0x400;
	s15 =	sadd.s32 $0x0, s6;
	s14 =	simm.s32 $0xF400  }
.LBB2_9:
0x31: {  	[tilespmem:s12], [sflag:$0x2] =	stream.linear.gather [hbm4b:s15+s2], $0x380, $0x38;
	[tilespmem:$0x14080] =	vst v63  }
0x32: {  	s15 =	smov.u32 s13;
	s12 =	smov.u32 s14;
	p1 =	sne.s32 s13, $0x4C00  }
.Ltmp6:
0x33: {  	s13 =	sadd.s32 $0x400, s13;
	(pc) =	sbr.rel @p1 .LBB2_9-.Ltmp6, $2  }
0x34: {  	_ =	sdelay $0x2  }
0x35: {  	s14 =	sadd.s32 $0x400, s14;
	s15 =	sadd.s32 s15, s6  }
0x36: {  	[tilespmem:s12], [sflag:$0x2] =	stream.linear.gather [hbm4b:s15+s2], $0x380, $0x38;
	[tilespmem:$0x14080] =	vst v63  }
.LBB2_11:
0x37: {  	s14 =	simm.s32 $0x0;
	p2 =	por $0x1, $0x1;
	v1 =	vimm.f32 $0.0e+00  }
.LBB2_12:
0x38: {  	p1 =	por p2, p2;
	p2 =	slt.u32 @!p2 s0, $0xC  }
0x39: {  	p2 =	por p1, p2  }
.Ltmp7:
0x3a: {  	_ = 	snop;
	(pc) =	sbr.rel @p2 .LBB2_14-.Ltmp7, $1  }
0x3b: {  	_ =	sdelay $0x3  }
.Ltmp8:
0x3c: {  	(pc) =	sbr.rel @p1 .LBB2_15-.Ltmp8, $4  }
.Ltmp9:
0x3d: {  	(pc) =	sbr.rel @!p1 .LBB2_18-.Ltmp9, $4  }
0x3e: {  	_ = 	snop  }
0x3f: {  	_ = 	snop  }
0x40: {  	_ = 	snop  }
0x41: {  	_ = 	snop  }
.LBB2_14:
0x42: {  	s12 =	simm.s32 $0x1  }
0x43: {  	s12 =	simm.s32 @!p1 $0x2  }
0x44: {  	_ =	swait.ge [sflag:s12], $0x4600  }
0x45: {  	[sflag:s12] =	ssyncset.done $0x0  }
0x46: {  	[sflag:s12] =	ssyncadd.s32 $0xFFFFBA00  }
0x47: {  	_ =	swait.ge [sflag:s12], $0x4600  }
0x48: {  	[sflag:s12] =	ssyncset.done $0x0  }
0x49: {  	[sflag:s12] =	ssyncadd.s32 $0xFFFFBA00  }
.LBB2_15:
0x4a: {  	s12 =	sadd.s32 $0x1C00, s14  }
0x4b: {  	s18 =	sor.u32 $0x2000, s14;
	[dreg:$0x7] =	wrdreg s12  }
0x4c: {  	s19 =	sor.u32 $0x2800, s14;
	s21 =	sshll.u32 s14, $0x2;
	[dreg:$0x8] =	wrdreg s18  }
0x4d: {  	s20 =	sor.u32 $0x2C00, s14;
	[dreg:$0xa] =	wrdreg s19;
	s12 =	sshra.s32 s21, $0x2  }
0x4e: {  	s15 =	sadd.s32 $0x4000, s14;
	[dreg:$0xb] =	wrdreg s20;
	s13 =	sadd.s32 $0xA800, s12  }
0x4f: {  	s22 =	sadd.s32 $0x4C00, s14;
	s18 =	simm.s32 $0x0;
	[dreg:$0x10] =	wrdreg s15;
	v6 =	vld [tilespmem:s13+$0x0]  }
0x50: {  	s17 =	rddreg [dreg:$0x7];
	s16 =	sand.u32 $0x380, s18;
	s12 =	sadd.s32 $0x800, s12;
	v2 =	vld [tilespmem:s13+$0x400]  }
0x51: {  	[dreg:$0x13] =	wrdreg s22;
	s15 =	sand.u32 $0x70, s18;
	s17 =	sor.u32 s17, s16;
	v3 =	vld [tilespmem:s12+$0x400]  }
0x52: {  	s19 =	rddreg [dreg:$0x10];
	v10 =	vld [tilespmem:s12+$0x0];
	s18 =	sor.u32 s15, s17  }
0x53: {  	s23 =	sadd.s32 $0x3000, s14;
	s20 =	rddreg [dreg:$0x8];
	s19 =	sor.u32 s19, s16;
	v9 =	vld [tilespmem:s18+$0x0]  }
0x54: {  	[dreg:$0xc] =	wrdreg s23;
	v5 =	vld [tilespmem:s13+$0xFFFFFC00];
	s20 =	sor.u32 s20, s16;
	s19 =	sor.u32 s15, s19  }
0x55: {  	s21 =	rddreg [dreg:$0xb];
	s17 =	sor.u32 s15, s20;
	v4 =	vld [tilespmem:s19+$0xA000];
	v11 =	vmul.f32 $1.428571490e-01, v6;
	v12 =	vmul.f32 $5.000000000e-01, v6  }
0x56: {  	s23 =	sadd.s32 $0x3400, s14;
	s22 =	rddreg [dreg:$0x13];
	s24 =	sor.u32 s21, s16;
	v7 =	vld [tilespmem:s17+$0x0];
	v13 =	vmul.f32 $5.000000000e-01, v2  }
0x57: {  	[dreg:$0xd] =	wrdreg s23;
	s25 =	sor.u32 s22, s16;
	s20 =	sor.u32 s15, s24;
	v8 =	vld [tilespmem:s19+$0x0];
	v15 =	vmul.f32 $5.000000000e-01, v3;
	v19 =	vmul.f32 $1.428571490e-01, v10;
	v14 =	vsub.f32 v11, v12  }
0x58: {  	s26 =	rddreg [dreg:$0xc];
	s21 =	sor.u32 s15, s25;
	v20 =	vld [tilespmem:s20+$0xA000];
	v16 =	vmul.f32 $1.428571490e-01, v9;
	v17 =	vsub.f32 v11, v13;
	v18 =	vmul.f32 $5.000000000e-01, v9  }
0x59: {  	s29 =	rddreg [dreg:$0xa];
	v21 =	vld [tilespmem:s21+$0x0];
	v12 =	vadd.f32 v12, v11;
	v11 =	vadd.f32 v13, v11;
	v13 =	vmul.f32 $5.000000000e-01, v10  }
0x5a: {  	s28 =	rddreg [dreg:$0xd];
	s22 =	sor.u32 s26, s16;
	v24 =	vld [tilespmem:s20+$0x0];
	v22 =	vadd.f32 v16, v15;
	v23 =	vadd.f32 v18, v19  }
0x5b: {  	s24 =	sadd.s32 $0x3800, s14;
	s30 =	sor.u32 s15, s22;
	s19 =	sor.u32 s28, s16;
	v27 =	vld [tilespmem:s21+$0xA000];
	v28 =	vmul.f32 $5.000000000e-01, v7;
	v26 =	vadd.f32 v13, v19;
	v13 =	vsub.f32 v19, v13  }
0x5c: {  	[dreg:$0xe] =	wrdreg s24;
	s24 =	sor.u32 s29, s16;
	v29 =	vld [tilespmem:s30+$0xA000];
	s19 =	sor.u32 s15, s19;
	v15 =	vsub.f32 v16, v15;
	v18 =	vsub.f32 v19, v18  }
0x5d: {  	s22 =	sor.u32 s15, s24;
	v25 =	vmul.f32 v3, v10;
	v19 =	vld [tilespmem:s19+$0x0];
	v30 =	vadd.f32 v28, v16;
	v16 =	vsub.f32 v16, v28  }
0x5e: {  	s25 =	sadd.s32 $0x4400, s14;
	s31 =	rddreg [dreg:$0xe];
	v22 =	vmin.f32 v22, v11;
	v26 =	vmin.f32 v26, v12;
	v12 =	vmin.f32 v23, v12;
	v23 =	vld [tilespmem:s22+$0xA000]  }
0x5f: {  	[dreg:$0x11] =	wrdreg s25;
	s21 =	sor.u32 s31, s16;
	v13 =	vmax.f32 v13, v14;
	v15 =	vmax.f32 v15, v17;
	v14 =	vmax.f32 v18, v14;
	v18 =	vld [tilespmem:s12+$0xFFFFFC00]  }
0x60: {  	s23 =	rddreg [dreg:$0x11];
	s21 =	sor.u32 s15, s21;
	v11 =	vmin.f32 v30, v11;
	v16 =	vmax.f32 v16, v17;
	v15 =	vsub.f32 v22, v15;
	v22 =	vld [tilespmem:s22+$0x0]  }
0x61: {  	s29 =	sor.u32 s23, s16;
	v17 =	vmul.f32 v2, v6;
	v13 =	vsub.f32 v26, v13;
	v12 =	vsub.f32 v12, v14;
	v14 =	vld [tilespmem:s21+$0xA000]  }
0x62: {  	s26 =	sadd.s32 $0x4800, s14;
	v20 =	vsub.f32 v24, v20;
	v11 =	vsub.f32 v11, v16;
	v16 =	vmul.f32 v7, v9;
	v26 =	vld [tilespmem:s19+$0xA000];
	s19 =	sor.u32 s15, s29  }
0x63: {  	[dreg:$0x12] =	wrdreg s26;
	v25 =	vadd.f32 v17, v25;
	v24 =	vld [tilespmem:s19+$0x0];
	v13 =	vmax.f32 v13, $0.0e+00;
	v15 =	vmax.f32 v15, $0.0e+00  }
0x64: {  	s22 =	rddreg [dreg:$0x12];
	v12 =	vmax.f32 v12, $0.0e+00;
	v11 =	vmax.f32 v11, $0.0e+00;
	v16 =	vadd.f32 v17, v16;
	v17 =	vld [tilespmem:s21+$0x0]  }
0x65: {  	s28 =	sadd.s32 $0x1000, s14;
	s22 =	sor.u32 s22, s16;
	v15 =	vmul.f32 v15, v13;
	v13 =	vld [tilespmem:s30+$0x0];
	v11 =	vmul.f32 v11, v12  }
0x66: {  	[dreg:$0x4] =	wrdreg s28;
	v12 =	vld [tilespmem:s18+$0xA000];
	s18 =	sor.u32 s15, s22  }
0x67: {  	s31 =	rddreg [dreg:$0x4];
	s30 =	sor.u32 $0x2400, s14;
	v31 =	vld [tilespmem:s18+$0xA000];
	v25 =	vsub.f32 v25, v15;
	v16 =	vsub.f32 v16, v11  }
0x68: {  	[dreg:$0x9] =	wrdreg s30;
	v32 =	vld [tilespmem:s18+$0x0];
	v22 =	vsub.f32 v22, v23  }
0x69: {  	s23 =	sor.u32 s31, s16;
	s20 =	rddreg [dreg:$0x9];
	v23 =	vld [tilespmem:s19+$0xA000];
	v28 =	vmul.f32 v25, v11;
	v30 =	vmul.f32 v16, v15  }
0x6a: {  	v20 =	vmul.f32 v20, v20;
	s19 =	sor.u32 s15, s23;
	s25 =	sor.u32 s20, s16;
	v22 =	vmul.f32 v22, v22;
	v13 =	vsub.f32 v13, v29;
	v29 =	vld [tilespmem:s13+$0xFFFFF800]  }
0x6b: {  	s18 =	sor.u32 s15, s25;
	v14 =	vsub.f32 v17, v14;
	vm1 =	vge.f32 v30, v28;
	v30 =	vld [tilespmem:s19+$0x0]  }
0x6c: {  	s24 =	sadd.s32 $0x1800, s14;
	v17 =	vadd.f32 v20, v22;
	v20 =	vld [tilespmem:s18+$0x0]  }
0x6d: {  	[dreg:$0x6] =	wrdreg s24;
	v21 =	vsub.f32 v21, v27;
	v22 =	vld [tilespmem:s18+$0xA000];
	v14 =	vmul.f32 v14, v14;
	v31 =	vsub.f32 v32, v31  }
0x6e: {  	s28 =	rddreg [dreg:$0x6];
	v9 =	vsel vm1, v10, v9;
	v10 =	vsel vm1, v6, v12;
	v6 =	vsub.f32 v19, v26;
	v19 =	vld [tilespmem:s19+$0xA000]  }
0x6f: {  	s26 =	sadd.s32 $0x1400, s14;
	s31 =	sor.u32 s28, s16;
	s13 =	sadd.s32 $0x10, s13;
	v13 =	vmul.f32 v13, v13;
	v16 =	vsel vm1, v25, v16;
	v25 =	vld [tilespmem:s17+$0xA000];
	v34 =	vsub.f32 v24, v23  }
0x70: {  	[dreg:$0x5] =	wrdreg s26;
	s29 =	sadd.s32 $0x3C00, s14;
	s19 =	sor.u32 s15, s31;
	v24 =	vsub.f32 v8, v4;
	v8 =	vsel vm1, v15, v11;
	v15 =	vld [tilespmem:s13+$0x400];
	v12 =	vmul.f32 v10, v9  }
0x71: {  	[dreg:$0xf] =	wrdreg s29;
	(erf) = vrcp.f32 v16;
	v28 =	vld [tilespmem:s19+$0x0];
	v6 =	vmul.f32 v6, v6;
	v13 =	vadd.f32 v13, v17  }
0x72: {  	s30 =	rddreg [dreg:$0x5];
	v27 =	vsel vm1, v3, v7;
	v23 =	vld [tilespmem:s19+$0xA000];
	v26 =	vshra.s32 v12, $0x1;
	v33 =	vmul.f32 $5.000000000e-01, v12  }
0x73: {  	s14 =	sor.u32 s30, s16;
	s20 =	rddreg [dreg:$0xf];
	v17 =	vsub.s32 $0x5F3759DF, v26;
	v6 =	vadd.f32 v6, v13;
	v13 =	vld [tilespmem:s12+$0xFFFFF800];
	v7 =	vsel vm1, v30, v20;
	s12 =	sadd.s32 $0x10, s12  }
0x74: {  	s21 =	sor.u32 s20, s16;
	s17 =	sor.u32 s15, s14;
	v16 =	vmul.f32 v17, v33;
	v26 =	vsub.f32 v30, v19;
	v3 =	vsel vm1, v2, v25;
	v25 =	vld [tilespmem:s12+$0x0]  }
0x75: {  	s14 =	sor.u32 s15, s21;
	v6 =	vadd.f32 v14, v6;
	v14 =	vsub.f32 v20, v22;
	v22 =	vld [tilespmem:s17+$0xA000];
	v4 =	vmul.f32 v3, v27  }
0x76: {  	vm0 =	veq.f32 v19, $0.0e+00;
	v16 =	vmul.f32 v17, v16;
	v54 =	vmul.f32 v26, v26;
	v26 =	vld [tilespmem:s14+$0x0]  }
0x77: {  	s22 =	rddreg [dreg:$0x7];
	s23 =	simm.s32 $0x10;
	v5 =	vsel vm1, v5, v23;
	v23 =	vadd.f32 v10, v9;
	v2 =	vmul.f32 v14, v14;
	v14 =	vld [tilespmem:s13+$0x0]  }
0x78: {  	s30 =	rddreg [dreg:$0xa];
	v9 =	vshra.s32 v4, $0x1;
	v11 =	vsub.f32 $1.500000000e+00, v16;
	v16 =	vsel vm1, v18, v28;
	v28 =	vld [tilespmem:s14+$0xA000];
	s14 =	sand.u32 $0x380, s23  }
0x79: {  	s25 =	rddreg [dreg:$0x13];
	s15 =	sand.u32 $0x70, s23;
	v2 =	vadd.f32 v2, v54;
	s16 =	sor.u32 s22, s14;
	v5 =	vsub.f32 v16, v5;
	v42 =	vmul.f32 $1.428571490e-01, v25  }
0x7a: {  	v10 =	vpop (erf);
	v16 =	vld [tilespmem:s12+$0x400];
	s19 =	sor.u32 s25, s14;
	v43 =	vmul.f32 $5.000000000e-01, v25;
	s25 =	sor.u32 s30, s14;
	v18 =	vmul.f32 v17, v11;
	s16 =	sor.u32 s15, s16;
	v17 =	vsub.s32 $0x5F3759DF, v9  }
0x7b: {  	s24 =	rddreg [dreg:$0xb];
	v10 =	vmul.f32 v10, v8;
	v30 =	vsel vm1, v29, v22;
	v22 =	vmul.f32 $5.000000000e-01, v15;
	s22 =	sor.u32 s15, s25;
	v20 =	vld [tilespmem:s16+$0x0]  }
0x7c: {  	s18 =	sor.u32 s24, s14;
	v2 =	vmul.f32 $5.000000000e-01, v2;
	v46 =	vadd.f32 v43, v42;
	v47 =	vld [tilespmem:s22+$0xA000];
	v11 =	vmul.f32 v18, v33  }
0x7d: {  	s26 =	rddreg [dreg:$0x8];
	s18 =	sor.u32 s15, s18;
	v43 =	vsub.f32 v42, v43;
	v49 =	vld [tilespmem:s22+$0x0];
	v55 =	vmul.f32 $5.000000000e-01, v14;
	v58 =	vmul.f32 v15, v14  }
0x7e: {  	s20 =	sor.u32 s26, s14;
	v35 =	vld [tilespmem:s18+$0xA000];
	v2 =	vnsel vm0, $0x0, v2;
	v8 =	vmul.f32 v11, v18;
	v11 =	vmul.f32 v5, v5  }
0x7f: {  	vm0 =	vgt.f32 v19, $0.0e+00;
	v19 =	vld [tilespmem:s18+$0x0];
	s18 =	sor.u32 s15, s20;
	v5 =	vmul.f32 v21, v21;
	v21 =	vmul.f32 $1.428571490e-01, v14  }
0x80: {  	v38 =	vmul.f32 $5.000000000e-01, v16;
	v29 =	vld [tilespmem:s18+$0x0];
	v48 =	vmul.f32 v16, v25;
	v9 =	vsub.f32 $1.500000000e+00, v8  }
0x81: {  	s28 =	rddreg [dreg:$0xc];
	s19 =	sor.u32 s15, s19;
	v37 =	vsub.f32 v21, v22;
	v39 =	vmul.f32 $1.428571490e-01, v20;
	v32 =	vadd.f32 v55, v21  }
0x82: {  	s29 =	rddreg [dreg:$0xd];
	s21 =	sor.u32 s28, s14;
	v56 =	vld [tilespmem:s19+$0x0];
	v41 =	vmul.f32 $5.000000000e-01, v20;
	v22 =	vadd.f32 v22, v21;
	v47 =	vsub.f32 v49, v47  }
0x83: {  	s26 =	rddreg [dreg:$0x11];
	s21 =	sor.u32 s15, s21;
	v40 =	vld [tilespmem:s19+$0xA000];
	v36 =	vmul.f32 v9, v18;
	v18 =	vsub.f32 v21, v55;
	v21 =	vadd.f32 v39, v38  }
0x84: {  	s31 =	rddreg [dreg:$0xe];
	s24 =	sor.u32 s29, s14;
	s29 =	sor.u32 s26, s14;
	v44 =	vld [tilespmem:s21+$0xA000];
	v9 =	vmul.f32 v31, v31;
	v31 =	vadd.f32 v41, v42;
	v38 =	vsub.f32 v39, v38  }
0x85: {  	s19 =	sor.u32 s31, s14;
	v50 =	vld [tilespmem:s21+$0x0];
	s31 =	sor.u32 s15, s29;
	v19 =	vsub.f32 v19, v35;
	v47 =	vmul.f32 v47, v47;
	v59 =	vmul.f32 v29, v20  }
0x86: {  	v60 =	vld [tilespmem:s31+$0x0];
	v61 =	vsub.f32 v42, v41;
	v51 =	vmul.f32 $5.000000000e-01, v29;
	v33 =	vmul.f32 v36, v33  }
0x87: {  	v63 =	vld [tilespmem:s31+$0xA000];
	s20 =	sor.u32 s15, s24;
	v31 =	vmin.f32 v31, v32;
	v32 =	vmin.f32 v46, v32;
	v43 =	vmax.f32 v43, v18  }
0x88: {  	s28 =	rddreg [dreg:$0x12];
	v45 =	vld [tilespmem:s20+$0x0];
	v21 =	vmin.f32 v21, v22;
	v38 =	vmax.f32 v38, v37;
	v32 =	vsub.f32 v32, v43  }
0x89: {  	s19 =	sor.u32 s15, s19;
	v57 =	vld [tilespmem:s20+$0xA000];
	s20 =	sor.u32 s28, s14;
	v19 =	vmul.f32 v19, v19;
	v21 =	vsub.f32 v21, v38;
	v62 =	vadd.f32 v51, v39  }
0x8a: {  	v52 =	vld [tilespmem:s19+$0x0];
	s21 =	sor.u32 s15, s20;
	v35 =	vadd.f32 v58, v59;
	v39 =	vsub.f32 v39, v51;
	v33 =	vmul.f32 v33, v36  }
0x8b: {  	v54 =	vld [tilespmem:s21+$0xA000];
	v32 =	vmax.f32 v32, $0.0e+00;
	v21 =	vmax.f32 v21, $0.0e+00;
	v41 =	vmin.f32 v62, v22  }
0x8c: {  	s30 =	rddreg [dreg:$0x4];
	v46 =	vld [tilespmem:s19+$0xA000];
	v22 =	vsub.f32 v60, v63;
	v53 =	vmul.f32 v21, v32;
	v21 =	vadd.f32 v58, v48  }
0x8d: {  	s22 =	sor.u32 s30, s14;
	v55 =	vld [tilespmem:s21+$0x0];
	v37 =	vmax.f32 v39, v37;
	v58 =	vadd.f32 v19, v47;
	v19 =	vsub.f32 v50, v44  }
0x8e: {  	s23 =	rddreg [dreg:$0x10];
	s20 =	sor.u32 s15, s22;
	v59 =	vld [tilespmem:s17+$0x0];
	v32 =	vmax.f32 v61, v18;
	v61 =	vsub.f32 v41, v37;
	v41 =	vsub.f32 v26, v28  }
0x8f: {  	s24 =	sor.u32 s23, s14;
	v8 =	vmul.f32 v34, v34;
	v34 =	vld [tilespmem:s20+$0x0];
	v50 =	vsub.f32 $1.500000000e+00, v33;
	v31 =	vsub.f32 v31, v32  }
0x90: {  	v42 =	vmul.f32 $5.000000000e-01, v4;
	s17 =	sor.u32 s15, s24;
	v18 =	vld [tilespmem:s20+$0xA000];
	v48 =	vsub.f32 v21, v53;
	v21 =	vsub.f32 v56, v40  }
0x91: {  	v62 =	vld [tilespmem:s17+$0x0];
	v26 =	vmul.f32 v24, v24;
	v56 =	vsub.f32 v45, v57;
	v57 =	vsub.f32 v52, v46  }
0x92: {  	v24 =	vld [tilespmem:s17+$0xA000];
	v60 =	vmul.f32 v19, v19;
	v19 =	vsub.f32 v55, v54;
	v32 =	vmax.f32 v61, $0.0e+00  }
0x93: {  	v13 =	vsel vm1, v13, v59;
	v54 =	vmul.f32 v17, v42;
	v31 =	vmax.f32 v31, $0.0e+00  }
0x94: {  	s25 =	rddreg [dreg:$0x9];
	v40 =	vmul.f32 v56, v56;
	v28 =	vadd.f32 v60, v58;
	v31 =	vmul.f32 v32, v31  }
0x95: {  	s26 =	sor.u32 s25, s14;
	v36 =	vmul.f32 v50, v36;
	v30 =	vsub.f32 v13, v30;
	v63 =	vsub.f32 v34, v18  }
0x96: {  	v51 =	vld [tilespmem:s16+$0xA000];
	s17 =	sor.u32 s15, s26;
	v43 =	vmul.f32 v57, v57;
	v28 =	vadd.f32 v40, v28;
	v35 =	vsub.f32 v35, v31  }
0x97: {  	v55 =	vld [tilespmem:s17+$0x0];
	v13 =	vsub.f32 v62, v24;
	v24 =	vmul.f32 v36, v12;
	v40 =	vmul.f32 v17, v54  }
0x98: {  	v56 =	vld [tilespmem:s17+$0xA000];
	v52 =	vmul.f32 v48, v31;
	v32 =	vadd.f32 v43, v28;
	v28 =	vmul.f32 v35, v53  }
0x99: {  	vm2 =	veq.f32 v12, $0.0e+00;
	v37 =	vmul.f32 v30, v30;
	v12 =	vsub.f32 $1.500000000e+00, v40  }
0x9a: {  	v57 =	vld [tilespmem:s18+$0xA000];
	v38 =	vmul.f32 v63, v63;
	v24 =	vadd.f32 v24, v24;
	vm1 =	vge.f32 v28, v52  }
0x9b: {  	v59 =	vmul.f32 v17, v12;
	v20 =	vsel vm1, v25, v20;
	v25 =	vsel vm1, v14, v51  }
0x9c: {  	s28 =	rddreg [dreg:$0x6];
	v28 =	vsel vm1, v53, v31;
	v31 =	vsel vm1, v48, v35;
	v14 =	vmul.f32 v25, v20  }
0x9d: {  	s29 =	sor.u32 s28, s14;
	v49 =	vld [tilespmem:s12+$0xFFFFFC00];
	v60 =	vsub.f32 v55, v56;
	v12 =	vsel vm1, v16, v29;
	(erf) = vrcp.f32 v31  }
0x9e: {  	s16 =	sor.u32 s15, s29;
	v30 =	vld [tilespmem:s13+$0xFFFFFC00];
	v29 =	vmul.f32 v59, v42;
	v16 =	vshra.s32 v14, $0x1;
	v36 =	vmul.f32 $5.000000000e-01, v14  }
0x9f: {  	v17 =	vld [tilespmem:s16+$0xA000];
	v33 =	vsel vm1, v15, v57;
	v15 =	vmul.f32 v60, v60;
	v61 =	vsub.s32 $0x5F3759DF, v16  }
0xa0: {  	v58 =	vld [tilespmem:s16+$0x0];
	v29 =	vmul.f32 v29, v59;
	v16 =	vmul.f32 v61, v36  }
0xa1: {  	s30 =	rddreg [dreg:$0x5];
	v63 =	vsel vm2, $0x0, v24;
	vm2 =	veq.f32 v18, $0.0e+00;
	v38 =	vadd.f32 v15, v38  }
0xa2: {  	s31 =	rddreg [dreg:$0xf];
	s16 =	sor.u32 s30, s14;
	v15 =	vadd.f32 v25, v20;
	v25 =	vsub.f32 $1.500000000e+00, v29;
	v16 =	vmul.f32 v61, v16  }
0xa3: {  	s14 =	sor.u32 s31, s14;
	v46 =	vsub.f32 v23, v63;
	s16 =	sor.u32 s15, s16;
	v31 =	vsel vm1, v34, v55;
	v35 =	vmul.f32 v33, v12;
	v34 =	vld [tilespmem:s13+$0xFFFFF800]  }
0xa4: {  	s14 =	sor.u32 s15, s14;
	v39 =	vld [tilespmem:s16+$0xA000];
	v62 =	vsel vm1, v30, v17;
	v30 =	vmul.f32 $5.000000000e-01, v38;
	v29 =	vsub.f32 $1.500000000e+00, v16  }
0xa5: {  	v44 =	vsel vm1, v49, v58;
	v23 =	vld [tilespmem:s14+$0x0];
	v20 =	vshra.s32 v35, $0x1;
	v40 =	vmul.f32 v25, v59  }
0xa6: {  	v17 =	vld [tilespmem:s12+$0xFFFFF800];
	v20 =	vsub.s32 $0x5F3759DF, v20;
	v24 =	vnsel vm2, $0x0, v30;
	v25 =	vpop (erf);
	v38 =	vmul.f32 v61, v29  }
0xa7: {  	v16 =	vld [tilespmem:s16+$0x0];
	v30 =	vmul.f32 v25, v28;
	v28 =	vsub.f32 v44, v62;
	v29 =	vmul.f32 v40, v42  }
0xa8: {  	s15 =	simm.s32 $0x20;
	s13 =	sadd.s32 $0x10, s13;
	v25 =	vld [tilespmem:s14+$0xA000];
	v42 =	vmul.f32 v41, v41;
	v41 =	vadd.f32 v46, v27;
	v43 =	vmul.f32 v38, v36  }
.LBB2_16:
0xa9: {  	v44 =	vadd.f32 v11, v37;
	v45 =	vsub.f32 v7, v10  }
0xaa: {  	v27 =	vld [tilespmem:s13+$0x0];
	v21 =	vmul.f32 v21, v21;
	v46 =	vsel vm0, $0x3F800000, v0;
	v22 =	vmul.f32 v22, v22  }
0xab: {  	s12 =	sadd.s32 $0x10, s12;
	vm0 =	vgt.f32 v18, $0.0e+00;
	v11 =	vmul.f32 v28, v28;
	v54 =	vmul.f32 v29, v40;
	v28 =	vld [tilespmem:s13+$0x400]  }
0xac: {  	v7 =	vmovc v31;
	vm2 =	veq.f32 v4, $0.0e+00;
	v43 =	vmul.f32 v43, v38;
	v42 =	vadd.f32 v42, v6;
	v31 =	vld [tilespmem:s12+$0x400]  }
0xad: {  	s17 =	rddreg [dreg:$0x7];
	s16 =	smov.u32 s15;
	s14 =	sadd.s32 $0x10, s15;
	v19 =	vmul.f32 v19, v19;
	v29 =	vld [tilespmem:s12+$0x0];
	v56 =	vadd.f32 v41, v3;
	v37 =	vsub.f32 $1.500000000e+00, v54  }
0xae: {  	s18 =	rddreg [dreg:$0x13];
	p2 =	sne.s32 s15, $0x370;
	s15 =	sand.u32 $0x380, s16;
	v18 =	vmul.f32 v45, v45;
	v55 =	vsub.f32 $1.500000000e+00, v43;
	v26 =	vadd.f32 v26, v42  }
0xaf: {  	s20 =	rddreg [dreg:$0xb];
	v6 =	vmovc v32;
	s16 =	sand.u32 $0x70, s16;
	s17 =	sor.u32 s17, s15;
	v32 =	vsel vm1, v34, v39;
	v37 =	vmul.f32 v37, v40;
	v57 =	vmul.f32 $1.428571490e-01, v27  }
0xb0: {  	s19 =	rddreg [dreg:$0x10];
	s28 =	sor.u32 s20, s15;
	s17 =	sor.u32 s16, s17;
	v17 =	vsel vm1, v17, v16;
	v58 =	vmul.f32 $5.000000000e-01, v27;
	v38 =	vmul.f32 v55, v38  }
0xb1: {  	s21 =	rddreg [dreg:$0xe];
	v3 =	vmovc v33;
	s18 =	sor.u32 s18, s15;
	s26 =	sor.u32 s16, s28;
	v33 =	vld [tilespmem:s17+$0x0];
	v26 =	vadd.f32 v8, v26;
	v60 =	vmul.f32 $5.000000000e-01, v28;
	v47 =	vmul.f32 $5.000000000e-01, v31  }
0xb2: {  	s22 =	rddreg [dreg:$0xd];
	s23 =	sor.u32 s16, s18;
	v62 =	vld [tilespmem:s26+$0xA000];
	v8 =	vmovc v22;
	v53 =	vmul.f32 $1.428571490e-01, v29;
	v55 =	vmul.f32 $5.000000000e-01, v29;
	v22 =	vsub.f32 v57, v58  }
0xb3: {  	s29 =	rddreg [dreg:$0xc];
	s19 =	sor.u32 s19, s15;
	v49 =	vld [tilespmem:s23+$0x0];
	v59 =	vmul.f32 v37, v4;
	v41 =	vadd.f32 v58, v57;
	v26 =	vadd.f32 v9, v26  }
0xb4: {  	s25 =	rddreg [dreg:$0x8];
	s24 =	sor.u32 s16, s19;
	v52 =	vld [tilespmem:s26+$0x0];
	v54 =	vmul.f32 v31, v29;
	v45 =	vsub.f32 v57, v60;
	v43 =	vadd.f32 v60, v57  }
0xb5: {  	s30 =	sor.u32 s21, s15;
	s31 =	sor.u32 s22, s15;
	s22 =	sor.u32 s29, s15;
	v4 =	vmovc v35;
	v35 =	vld [tilespmem:s24+$0xA000];
	v48 =	vmul.f32 v38, v36;
	v60 =	vadd.f32 v55, v53;
	v61 =	vadd.f32 v59, v59  }
0xb6: {  	s21 =	sor.u32 s16, s31;
	v37 =	vld [tilespmem:s24+$0x0];
	s24 =	sor.u32 s25, s15;
	s25 =	rddreg [dreg:$0xa];
	v55 =	vsub.f32 v53, v55;
	v50 =	vmul.f32 $1.428571490e-01, v33;
	v51 =	vmul.f32 $5.000000000e-01, v33  }
0xb7: {  	s20 =	sor.u32 s16, s22;
	v9 =	vmovc v19;
	v19 =	vld [tilespmem:s21+$0x0];
	s18 =	sor.u32 s16, s24;
	s22 =	sor.u32 s25, s15;
	v48 =	vmul.f32 v48, v38;
	v26 =	vadd.f32 v5, v26;
	v34 =	vsel vm2, $0x0, v61  }
0xb8: {  	v36 =	vld [tilespmem:s18+$0x0];
	s22 =	sor.u32 s16, s22;
	v59 =	vmul.f32 v28, v27;
	v63 =	vadd.f32 v50, v47;
	v34 =	vsub.f32 v56, v34  }
0xb9: {  	v58 =	vld [tilespmem:s22+$0xA000];
	v47 =	vsub.f32 v50, v47;
	v61 =	vsub.f32 v52, v62;
	v62 =	vmax.f32 v55, v22  }
0xba: {  	v5 =	vmovc v21;
	v21 =	vld [tilespmem:s22+$0x0];
	v26 =	vmul.f32 v26, v46;
	v56 =	vadd.f32 v51, v53;
	v34 =	vadd.f32 v34, v44  }
0xbb: {  	v55 =	vld [tilespmem:s21+$0xA000];
	v51 =	vsub.f32 v53, v51;
	v57 =	vmin.f32 v63, v43;
	v47 =	vmax.f32 v47, v45  }
0xbc: {  	s19 =	sor.u32 s16, s30;
	v39 =	vld [tilespmem:s23+$0xA000];
	v56 =	vmin.f32 v56, v41;
	v41 =	vmin.f32 v60, v41;
	v34 =	vmul.f32 $5.000000000e+00, v34  }
0xbd: {  	v52 =	vld [tilespmem:s19+$0xA000];
	v42 =	vmul.f32 v36, v33;
	v47 =	vsub.f32 v57, v47;
	v57 =	vmul.f32 $5.000000000e-01, v36  }
0xbe: {  	s26 =	rddreg [dreg:$0x11];
	v53 =	vld [tilespmem:s19+$0x0];
	v51 =	vmax.f32 v51, v22;
	v41 =	vsub.f32 v41, v62;
	v18 =	vadd.f32 v34, v18  }
0xbf: {  	s30 =	sor.u32 s26, s15;
	v44 =	vld [tilespmem:s20+$0xA000];
	v21 =	vsub.f32 v21, v58;
	v47 =	vmax.f32 v47, $0.0e+00;
	v42 =	vadd.f32 v59, v42  }
0xc0: {  	s28 =	rddreg [dreg:$0x12];
	v22 =	vsub.f32 v50, v57;
	v19 =	vsub.f32 v19, v55;
	v18 =	vmul.f32 v18, v46;
	v46 =	vld [tilespmem:s20+$0x0];
	s20 =	sor.u32 s16, s30  }
0xc1: {  	s21 =	sor.u32 s28, s15;
	v55 =	vsub.f32 v17, v32;
	v41 =	vmax.f32 v41, $0.0e+00;
	v58 =	vmul.f32 v21, v21;
	v60 =	vld [tilespmem:s20+$0xA000]  }
0xc2: {  	v21 =	vsub.f32 v49, v39;
	v34 =	vmul.f32 v61, v61;
	v18 =	vadd.f32 v18, v26;
	v26 =	vld [tilespmem:s20+$0x0];
	s20 =	sor.u32 s16, s21  }
0xc3: {  	s31 =	rddreg [dreg:$0x4];
	v41 =	vmul.f32 v47, v41;
	v47 =	vadd.f32 v59, v54;
	v54 =	vadd.f32 v57, v50;
	v63 =	vld [tilespmem:s20+$0x0]  }
0xc4: {  	s22 =	sor.u32 s31, s15;
	v57 =	vsub.f32 v53, v52;
	v45 =	vmax.f32 v22, v45;
	v18 =	vadd.f32 v18, v2;
	v2 =	vmovc v24;
	v24 =	vld [tilespmem:s20+$0xA000]  }
0xc5: {  	s26 =	sor.u32 s16, s22;
	v61 =	vsub.f32 v56, v51;
	v50 =	vsub.f32 v23, v25;
	v43 =	vmin.f32 v54, v43  }
0xc6: {  	v49 =	vld [tilespmem:s26+$0x0];
	v59 =	vmul.f32 v19, v19;
	v58 =	vadd.f32 v34, v58;
	v43 =	vsub.f32 v43, v45  }
0xc7: {  	v51 =	vmul.f32 $5.000000000e-01, v4;
	v44 =	vsub.f32 v46, v44;
	v1 =	vadd.f32 v18, v1;
	v18 =	vld [tilespmem:s26+$0xA000]  }
0xc8: {  	v54 =	vmul.f32 v57, v57;
	v25 =	vmax.f32 v43, $0.0e+00;
	v22 =	vsub.f32 v26, v60  }
0xc9: {  	v60 =	vmul.f32 v44, v44;
	v19 =	vsub.f32 v63, v24;
	v24 =	vmax.f32 v61, $0.0e+00  }
0xca: {  	s29 =	rddreg [dreg:$0x9];
	v47 =	vsub.f32 v47, v41;
	v63 =	vmul.f32 v20, v51;
	v24 =	vmul.f32 v25, v24  }
0xcb: {  	s24 =	sor.u32 s29, s15;
	v26 =	vmul.f32 v13, v13;
	v13 =	vadd.f32 v60, v58;
	v25 =	vsub.f32 $1.500000000e+00, v48  }
0xcc: {  	s25 =	sor.u32 s16, s24;
	v46 =	vld [tilespmem:s17+$0xA000];
	v62 =	vsub.f32 v49, v18;
	v53 =	vmul.f32 v20, v63;
	v42 =	vsub.f32 v42, v24  }
0xcd: {  	v23 =	vld [tilespmem:s25+$0x0];
	v13 =	vadd.f32 v59, v13;
	v52 =	vmul.f32 v47, v24;
	v60 =	vmul.f32 v25, v38  }
0xce: {  	vm2 =	veq.f32 v14, $0.0e+00;
	v25 =	vld [tilespmem:s25+$0xA000];
	v44 =	vmul.f32 v62, v62;
	v61 =	vmul.f32 v42, v41  }
0xcf: {  	v10 =	vmovc v30;
	v30 =	vld [tilespmem:s13+$0xFFFFFC00];
	s29 =	rddreg [dreg:$0x6];
	v32 =	vadd.f32 v54, v13;
	v13 =	vsub.f32 v37, v35;
	v37 =	vmul.f32 v55, v55  }
0xd0: {  	v45 =	vld [tilespmem:s18+$0xA000];
	s17 =	sor.u32 s29, s15;
	v55 =	vsub.f32 $1.500000000e+00, v53;
	v63 =	vmul.f32 v60, v14;
	vm1 =	vge.f32 v61, v52  }
0xd1: {  	v40 =	vld [tilespmem:s12+$0xFFFFFC00];
	s17 =	sor.u32 s16, s17;
	v41 =	vsel vm1, v41, v24;
	v24 =	vsel vm1, v29, v33;
	v27 =	vsel vm1, v27, v46  }
0xd2: {  	v48 =	vld [tilespmem:s17+$0x0];
	v57 =	vmul.f32 v20, v55;
	v29 =	vsel vm1, v47, v42;
	v14 =	vmul.f32 v27, v24  }
0xd3: {  	v62 =	vld [tilespmem:s17+$0xA000];
	v60 =	vadd.f32 v63, v63;
	v20 =	vsub.f32 v23, v25;
	(erf) = vrcp.f32 v29  }
0xd4: {  	v58 =	vsel vm1, v31, v36;
	v25 =	vshra.s32 v14, $0x1;
	v36 =	vmul.f32 $5.000000000e-01, v14  }
0xd5: {  	v33 =	vsel vm1, v28, v45;
	v42 =	vmul.f32 v50, v50;
	v28 =	vsub.s32 $0x5F3759DF, v25  }
0xd6: {  	v31 =	vsel vm1, v49, v23;
	v29 =	vmul.f32 v57, v51;
	v23 =	vmul.f32 v28, v36  }
0xd7: {  	v59 =	vsel vm1, v40, v48;
	v35 =	vmul.f32 v33, v58;
	v20 =	vmul.f32 v20, v20  }
0xd8: {  	s28 =	rddreg [dreg:$0x5];
	v43 =	vld [tilespmem:s12+$0xFFFFF800];
	v25 =	vmul.f32 v29, v57;
	v29 =	vsel vm1, v30, v62;
	v30 =	vmul.f32 v28, v23  }
0xd9: {  	s30 =	sor.u32 s28, s15;
	v27 =	vadd.f32 v27, v24;
	v24 =	vshra.s32 v35, $0x1;
	v20 =	vadd.f32 v20, v44  }
.Ltmp10:
0xda: {  	s31 =	rddreg [dreg:$0xf];
	v34 =	vld [tilespmem:s13+$0xFFFFF800];
	s18 =	sor.u32 s16, s30;
	v62 =	vsel vm2, $0x0, v60;
	v61 =	vsub.f32 $1.500000000e+00, v25;
	v30 =	vsub.f32 $1.500000000e+00, v30;
	(pc) =	sbr.rel @p2 .LBB2_16-.Ltmp10, $4  }
0xdb: {  	v16 =	vld [tilespmem:s18+$0x0];
	s15 =	sor.u32 s31, s15;
	vm2 =	veq.f32 v18, $0.0e+00;
	v63 =	vsub.f32 v15, v62;
	v44 =	vmul.f32 $5.000000000e-01, v20  }
0xdc: {  	v39 =	vld [tilespmem:s18+$0xA000];
	s15 =	sor.u32 s16, s15;
	v20 =	vsub.s32 $0x5F3759DF, v24;
	v40 =	vmul.f32 v61, v57;
	v38 =	vmul.f32 v28, v30;
	v28 =	vpop (erf)  }
0xdd: {  	v17 =	vmovc v43;
	v15 =	vmovc v27;
	v25 =	vld [tilespmem:s15+$0xA000];
	v24 =	vnsel vm2, $0x0, v44;
	v30 =	vmul.f32 v28, v41;
	v28 =	vsub.f32 v59, v29  }
0xde: {  	s13 =	sadd.s32 $0x10, s13;
	v23 =	vld [tilespmem:s15+$0x0];
	s15 =	smov.u32 s14;
	v29 =	vmul.f32 v40, v51;
	v41 =	vadd.f32 v63, v12;
	v12 =	vmovc v58;
	v43 =	vmul.f32 v38, v36  }
0xdf: {  	v27 =	vmul.f32 $5.000000000e-01, v35;
	_ =	sdelay $0x1  }
0xe0: {  	v44 =	vmul.f32 v20, v27;
	_ =	sdelay $0x1  }
0xe1: {  	v44 =	vmul.f32 v20, v44;
	_ =	sdelay $0x1  }
0xe2: {  	v43 =	vmul.f32 v43, v38;
	v44 =	vsub.f32 $1.500000000e+00, v44;
	_ =	sdelay $0x1  }
0xe3: {  	v43 =	vsub.f32 $1.500000000e+00, v43;
	v61 =	vmul.f32 v20, v44;
	_ =	sdelay $0x1  }
0xe4: {  	v62 =	vmul.f32 v43, v38;
	v63 =	vmul.f32 v61, v27;
	_ =	sdelay $0x1  }
0xe5: {  	v36 =	vmul.f32 v62, v36;
	v43 =	vmul.f32 v63, v61;
	_ =	sdelay $0x1  }
0xe6: {  	v36 =	vmul.f32 v36, v62;
	v43 =	vsub.f32 $1.500000000e+00, v43;
	_ =	sdelay $0x1  }
0xe7: {  	v28 =	vmul.f32 v28, v28;
	v36 =	vsub.f32 $1.500000000e+00, v36;
	v20 =	vmul.f32 v43, v61  }
0xe8: {  	v11 =	vadd.f32 v11, v37;
	v6 =	vadd.f32 v42, v6;
	v29 =	vmul.f32 v29, v40  }
0xe9: {  	v7 =	vsub.f32 v7, v10;
	v36 =	vmul.f32 v36, v62;
	v27 =	vmul.f32 v20, v27  }
0xea: {  	v45 =	vmul.f32 v21, v21;
	vm2 =	veq.f32 v14, $0.0e+00;
	v29 =	vsub.f32 $1.500000000e+00, v29  }
0xeb: {  	vm13 =	veq.f32 v4, $0.0e+00;
	v46 =	vmul.f32 v36, v14;
	v27 =	vmul.f32 v27, v20  }
0xec: {  	v56 =	vsub.f32 v31, v30;
	v3 =	vadd.f32 v41, v3;
	v29 =	vmul.f32 v29, v40  }
0xed: {  	v13 =	vmul.f32 v13, v13;
	v21 =	vadd.f32 v46, v46;
	v48 =	vsub.f32 $1.500000000e+00, v27  }
0xee: {  	v16 =	vsel vm1, v17, v16;
	v6 =	vadd.f32 v26, v6;
	v47 =	vmul.f32 v29, v4  }
0xef: {  	v52 =	vsub.f32 v23, v25;
	v21 =	vsel vm2, $0x0, v21;
	v51 =	vmul.f32 v48, v20  }
0xf0: {  	v34 =	vsel vm1, v34, v39;
	v50 =	vadd.f32 v47, v47;
	v15 =	vsub.f32 v15, v21  }
0xf1: {  	v16 =	vsub.f32 v16, v34;
	v49 =	vadd.f32 v8, v6;
	v8 =	vmul.f32 v51, v35  }
0xf2: {  	v53 =	vmul.f32 v52, v52;
	v6 =	vsel vm13, $0x0, v50;
	v12 =	vadd.f32 v15, v12  }
0xf3: {  	v54 =	vmul.f32 v16, v16;
	v3 =	vsub.f32 v3, v6;
	v8 =	vadd.f32 v8, v8  }
0xf4: {  	vm14 =	veq.f32 v35, $0.0e+00;
	v6 =	vadd.f32 v53, v32;
	v12 =	vadd.f32 v12, v33  }
0xf5: {  	v55 =	vadd.f32 v28, v54;
	v3 =	vadd.f32 v3, v11;
	v8 =	vsel vm14, $0x0, v8  }
0xf6: {  	v22 =	vmul.f32 v22, v22;
	v6 =	vadd.f32 v13, v6;
	v8 =	vsub.f32 v12, v8  }
0xf7: {  	v57 =	vmul.f32 v19, v19;
	v7 =	vmul.f32 v7, v7;
	v4 =	vadd.f32 v9, v49  }
0xf8: {  	v3 =	vmul.f32 $5.000000000e+00, v3;
	v6 =	vadd.f32 v22, v6;
	v8 =	vadd.f32 v8, v55  }
0xf9: {  	v58 =	vsel vm0, $0x3F800000, v0;
	v59 =	vmul.f32 v56, v56;
	v4 =	vadd.f32 v5, v4  }
0xfa: {  	v3 =	vadd.f32 v3, v7;
	v6 =	vadd.f32 v57, v6;
	v60 =	vmul.f32 $5.000000000e+00, v8  }
0xfb: {  	vm15 =	vgt.f32 v18, $0.0e+00;
	v4 =	vmul.f32 v4, v58  }
0xfc: {  	v3 =	vmul.f32 v3, v58;
	v6 =	vadd.f32 v45, v6;
	v5 =	vadd.f32 v60, v59  }
0xfd: {  	v61 =	vsel vm15, $0x3F800000, v0  }
0xfe: {  	v3 =	vadd.f32 v3, v4;
	v63 =	vmul.f32 v6, v61;
	v62 =	vmul.f32 v5, v61;
	_ =	sdelay $0x1  }
.Ltmp11:
0xff: {  	v2 =	vadd.f32 v3, v2;
	v3 =	vadd.f32 v62, v63;
	(pc) =	sbr.rel @p1 .LBB2_12-.Ltmp11, $4  }
.Ltmp12:
0x100: {  	_ = 	snop;
	(pc) =	sbr.rel @!p1 .LBB2_18-.Ltmp12, $4  }
0x101: {  	v1 =	vadd.f32 v2, v1;
	v2 =	vadd.f32 v3, v24  }
0x102: {  	_ = 	snop  }
0x103: {  	s14 =	simm.s32 $0x5000;
	p2 =	por $0x0, $0x0;
	v1 =	vadd.f32 v2, v1  }
0x104: {  	_ = 	snop  }
.LBB2_19:
0x105: {  	_ =	sfence.sel $0x180000  }
0x106: {  	[bflag:$0x0] =	sbarrier.arrive $0xFFFF  }
0x107: {  	p0 =	sne.s32 s0, $0x0;
	_ =	strace $0x90000047  }
0x108: {  	s0 =	sadd.s32 @!p0 $0x100000, s1;
	[bflag:$0x2] =	sbarrier.arrive $0xFFFF  }
0x109: {  	[sflag:s0] =	ssyncadd.tile.s32 @!p0 $0x1;
	_ =	shalt  }
.Lfunc_end2:
_tile_overlayer_lowered:
.L_overlay_start_2:
0x10a: {  	(tag) =	ssettag $0x2  }
0x10b: {  	s0 =	rddreg [dreg:$0x0];
	s2 =	stileid.u32  }
0x10c: {  	s1 =	rddreg [dreg:$0x1];
	p0 =	sne.s32 s2, $0x0  }
0x10d: {  	s3 =	rddreg [dreg:$0x2];
	[bflag:$0x3] =	sbarrier.arrive $0xFFFF;
	s2 =	simm.s32 @!p0 $0x1C03  }
0x10e: {  	[timem:s3], [sflag:s2] =	dma.local @!p0 [hbm:s0], s1  }
0x10f: {  	s0 =	simm.s32 @!p0 $0x3  }
0x110: {  	_ =	swait.ge @!p0 [sflag:s0], s1  }
0x111: {  	s1 =	ssub.s32 @!p0 $0x0, s1;
	[sflag:s0] =	ssyncset.done @!p0 $0x0  }
0x112: {  	[sflag:s0] =	ssyncadd.s32 @!p0 s1  }
0x113: {  	[bflag:$0x3] =	sbarrier.arrive $0xFFFF  }
0x114: {  	_ =	shalt  }

</sc_bundles>
